<compile_context>
chip_gen: v7x
topology: tpu7x:2x2x1
jax: 0.10.2.dev20260603
libtpu: 0.0.44.dev20260713+nightly
codegen_flags: <defaults>
</compile_context>

<pallas_src>
import jax
import jax.numpy as jnp
from jax import lax
from jax.experimental import pallas as pl
from jax.experimental.pallas import tpu as pltpu
from jax.experimental.pallas import tpu_sc as plsc

N = 10000
E = 320000
D = 128
NC = 2
NS = 16
NW = NC * NS
EPT = E // NW
CHUNK = 80
NCHUNKS = EPT // CHUNK
BROW = 125
NBLK = N // BROW
BPT = NBLK // NS

f32 = jnp.float32


def _make_sc_aggregate(with_cnt: bool):
  out_type = [jax.ShapeDtypeStruct((NC, NBLK, BROW, D), f32)]

  scratch = [
      pltpu.VMEM((CHUNK,), jnp.int32),
      pltpu.VMEM((CHUNK,), jnp.int32),
      pltpu.VMEM((1, BROW), jnp.int32),
      pltpu.VMEM((BROW, D), f32),
      pltpu.VMEM_SHARED((N, D), f32),
      pltpu.SemaphoreType.DMA,
  ]
  mesh = plsc.VectorSubcoreMesh(core_axis_name="c", subcore_axis_name="s")
  ones_mode = with_cnt

  def body(y_hbm, src_hbm, dst_hbm, zrow_hbm, orow_hbm, ident_hbm, msum_hbm,
           srcbuf, dstbuf, identbuf, stage, acc, gsem):
    cid = lax.axis_index("c")
    sid = lax.axis_index("s")
    tbase = (cid * NS + sid) * EPT

    pltpu.sync_copy(zrow_hbm, stage)

    def zero_blk(k, c):
      blk = sid * BPT + k
      pltpu.sync_copy(ident_hbm.at[blk], identbuf)
      pltpu.sync_copy(stage, acc.at[identbuf.at[0]])
      return c
    lax.fori_loop(0, BPT, zero_blk, 0)

    if ones_mode:
      pltpu.sync_copy(orow_hbm, stage)
    plsc.subcore_barrier()

    def step(i, c):
      ebase = tbase + i * CHUNK
      pltpu.sync_copy(dst_hbm.at[pl.ds(ebase, CHUNK)], dstbuf)
      if not ones_mode:
        pltpu.sync_copy(src_hbm.at[pl.ds(ebase, CHUNK)], srcbuf)
        pltpu.async_copy(y_hbm.at[srcbuf], stage.at[pl.ds(0, CHUNK)],
                         gsem).wait()
      pltpu.sync_copy(stage.at[pl.ds(0, CHUNK)], acc.at[dstbuf], add=True)
      return c
    lax.fori_loop(0, NCHUNKS, step, 0)
    plsc.subcore_barrier()

    def drain_blk(k, c):
      blk = sid * BPT + k
      pltpu.sync_copy(ident_hbm.at[blk], identbuf)
      pltpu.async_copy(acc.at[identbuf.at[0]], stage, gsem).wait()
      pltpu.sync_copy(stage, msum_hbm.at[cid, blk])
      return c
    lax.fori_loop(0, BPT, drain_blk, 0)

  return pl.kernel(body, out_type=out_type, mesh=mesh, scratch_types=scratch)


_sc_count = _make_sc_aggregate(with_cnt=True)
_sc_agg = _make_sc_aggregate(with_cnt=False)


BLK = 2000


def _proj_body(x_ref, wl_ref, wr_ref, b_ref, y_ref, z_ref):
  xb = x_ref[...]
  y_ref[...] = jnp.dot(xb, wl_ref[...], preferred_element_type=f32)
  z_ref[...] = jnp.dot(xb, wr_ref[...], preferred_element_type=f32) + b_ref[...]


def _stage_first(x, wl, wr, b):
  return pl.pallas_call(
      _proj_body,
      grid=(N // BLK,),
      in_specs=[
          pl.BlockSpec((BLK, D), lambda i: (i, 0)),
          pl.BlockSpec((D, D), lambda i: (0, 0)),
          pl.BlockSpec((D, D), lambda i: (0, 0)),
          pl.BlockSpec((1, D), lambda i: (0, 0)),
      ],
      out_specs=[pl.BlockSpec((BLK, D), lambda i: (i, 0))] * 2,
      out_shape=[jax.ShapeDtypeStruct((N, D), f32)] * 2,
  )(x, wl, wr, b.reshape(1, D))


def _mid_body(msum_ref, cnt_ref, z_ref, wl_ref, wr_ref, b_ref, y_ref, z2_ref):
  c = jnp.maximum(cnt_ref[0, :, :1] + cnt_ref[1, :, :1], 1.0)
  h = (msum_ref[0] + msum_ref[1]) / c + z_ref[...]
  h = jnp.maximum(h, 0.0)
  y_ref[...] = jnp.dot(h, wl_ref[...], preferred_element_type=f32)
  z2_ref[...] = jnp.dot(h, wr_ref[...], preferred_element_type=f32) + b_ref[...]


def _stage_mid(msum, cnt, z, wl, wr, b):
  return pl.pallas_call(
      _mid_body,
      grid=(N // BLK,),
      in_specs=[
          pl.BlockSpec((NC, BLK, D), lambda i: (0, i, 0)),
          pl.BlockSpec((NC, BLK, D), lambda i: (0, i, 0)),
          pl.BlockSpec((BLK, D), lambda i: (i, 0)),
          pl.BlockSpec((D, D), lambda i: (0, 0)),
          pl.BlockSpec((D, D), lambda i: (0, 0)),
          pl.BlockSpec((1, D), lambda i: (0, 0)),
      ],
      out_specs=[pl.BlockSpec((BLK, D), lambda i: (i, 0))] * 2,
      out_shape=[jax.ShapeDtypeStruct((N, D), f32)] * 2,
  )(msum, cnt, z, wl, wr, b.reshape(1, D))


def _final_body(msum_ref, cnt_ref, z_ref, out_ref):
  c = jnp.maximum(cnt_ref[0, :, :1] + cnt_ref[1, :, :1], 1.0)
  out_ref[...] = (msum_ref[0] + msum_ref[1]) / c + z_ref[...]


def _stage_final(msum, cnt, z):
  return pl.pallas_call(
      _final_body,
      grid=(N // BLK,),
      in_specs=[
          pl.BlockSpec((NC, BLK, D), lambda i: (0, i, 0)),
          pl.BlockSpec((NC, BLK, D), lambda i: (0, i, 0)),
          pl.BlockSpec((BLK, D), lambda i: (i, 0)),
      ],
      out_specs=pl.BlockSpec((BLK, D), lambda i: (i, 0)),
      out_shape=jax.ShapeDtypeStruct((N, D), f32),
  )(msum, cnt, z)


def kernel(x, edge_index, W1l, b1, W1r, W2l, b2, W2r):
  src = edge_index[0].astype(jnp.int32)
  dst = edge_index[1].astype(jnp.int32)
  zrow = jnp.zeros((BROW, D), f32)
  orow = jnp.ones((BROW, D), f32)
  ident = jnp.arange(N, dtype=jnp.int32).reshape(NBLK, 1, BROW)

  y1, z1 = _stage_first(x, W1l, W1r, b1)
  cnt, = _sc_count(y1, src, dst, zrow, orow, ident)
  cnt = cnt.reshape(NC, N, D)
  msum1, = _sc_agg(y1, src, dst, zrow, orow, ident)
  msum1 = msum1.reshape(NC, N, D)
  y2, z2 = _stage_mid(msum1, cnt, z1, W2l, W2r, b2)
  msum2, = _sc_agg(y2, src, dst, zrow, orow, ident)
  msum2 = msum2.reshape(NC, N, D)
  return _stage_final(msum2, cnt, z2)

# --- scband reference (transcript-rebuilt; emitter-appended) ---
"""Pipeline reference for scband-graph-sage-29317446762711 (READ-ONLY COPY).

The authoritative reference and input builder live on the scoring server;
editing this copy changes nothing except your own understanding.
"""

import jax, jax.numpy as jnp
import numpy as np

N_NODES = 10000
N_EDGES = 320000
D_IN = 128
D_HID = 128
D_OUT = 128


def setup_inputs(seed: int = 0) -> dict:
    key = jax.random.key(seed)
    ks = jax.random.split(key, 9)
    x = jax.random.normal(ks[0], (N_NODES, D_IN), dtype=jnp.float32)
    edge_index = jax.random.randint(ks[1], (2, N_EDGES), 0, N_NODES, dtype=jnp.int64 if jax.config.jax_enable_x64 else jnp.int32)
    s1 = 1.0 / np.sqrt(D_IN)
    s2 = 1.0 / np.sqrt(D_HID)
    W1l = jax.random.uniform(ks[2], (D_IN, D_HID), minval=-s1, maxval=s1, dtype=jnp.float32)
    b1 = jax.random.uniform(ks[3], (D_HID,), minval=-s1, maxval=s1, dtype=jnp.float32)
    W1r = jax.random.uniform(ks[4], (D_IN, D_HID), minval=-s1, maxval=s1, dtype=jnp.float32)
    W2l = jax.random.uniform(ks[5], (D_HID, D_OUT), minval=-s2, maxval=s2, dtype=jnp.float32)
    b2 = jax.random.uniform(ks[6], (D_OUT,), minval=-s2, maxval=s2, dtype=jnp.float32)
    W2r = jax.random.uniform(ks[7], (D_HID, D_OUT), minval=-s2, maxval=s2, dtype=jnp.float32)
    return {"x": x, "edge_index": edge_index, "W1l": W1l, "b1": b1, "W1r": W1r, "W2l": W2l, "b2": b2, "W2r": W2r}


def _sage_conv(x, src, dst, Wl, bl, Wr):
    # PyG SAGEConv (aggr='mean'): out_i = Wl @ mean_{j in N(i)} x_j + bl + Wr @ x_i
    msgs = jnp.take(x, src, axis=0)                                   # gather [E, d]
    agg = jax.ops.segment_sum(msgs, dst, num_segments=N_NODES)        # scatter-add
    cnt = jax.ops.segment_sum(jnp.ones((src.shape[0],), dtype=x.dtype), dst, num_segments=N_NODES)
    mean = agg / jnp.clip(cnt, 1.0)[:, None]
    return mean @ Wl + bl + x @ Wr


def reference(x, edge_index, W1l, b1, W1r, W2l, b2, W2r):
    src = edge_index[0]
    dst = edge_index[1]
    h = _sage_conv(x, src, dst, W1l, b1, W1r)
    h = jax.nn.relu(h)
    # dropout(0.3) is identity in eval mode
    out = _sage_conv(h, src, dst, W2l, b2, W2r)
    return out

if __name__ == "__main__":
    import jax
    _d = setup_inputs()
    print(jax.jit(kernel)(*tuple(_d.values())))

</pallas_src>

<mosaic_0001>
#map = affine_map<(d0, d1) -> (0, 0)>
#map1 = affine_map<(d0, d1) -> (0)>
#map2 = affine_map<(d0, d1) -> (0, 0, 0)>
#map3 = affine_map<(d0, d1) -> (0, 0, 0, 0)>
module attributes {stable_mosaic.version = 14 : i64} {
  func.func @body(%arg0: i32, %arg1: i32, %arg2: memref<10000x128xf32, #tpu.memory_space<hbm>>, %arg3: memref<320000xi32, #tpu.memory_space<hbm>>, %arg4: memref<320000xi32, #tpu.memory_space<hbm>>, %arg5: memref<125x128xf32, #tpu.memory_space<hbm>>, %arg6: memref<125x128xf32, #tpu.memory_space<hbm>>, %arg7: memref<80x1x125xi32, #tpu.memory_space<hbm>>, %arg8: memref<2x80x125x128xf32, #tpu.memory_space<hbm>>, %arg9: memref<80xi32, #tpu.memory_space<vmem>>, %arg10: memref<80xi32, #tpu.memory_space<vmem>>, %arg11: memref<1x125xi32, #tpu.memory_space<vmem>>, %arg12: memref<125x128xf32, #tpu.memory_space<vmem>>, %arg13: memref<10000x128xf32, #tpu.memory_space<vmem_shared>>, %arg14: memref<!tpu.dma_semaphore, #tpu.memory_space<semaphore_mem>>) attributes {dimension_semantics = [#tpu.dimension_semantics<core_parallel>, #tpu.dimension_semantics<subcore_parallel>], iteration_bounds = array<i64: 2, 16>, scalar_prefetch = 0 : i64, scratch_operands = 6 : i64, tpu.core_type = #tpu.core_type<sc_vector_subcore>, window_params = [{transform_indices = #map}, {transform_indices = #map1}, {transform_indices = #map1}, {transform_indices = #map}, {transform_indices = #map}, {transform_indices = #map2}, {transform_indices = #map3}]} {
    %mul3A = arith.constant 16 : i32
    %mul3A_0 = arith.muli %arg0, %mul3A : i32
    %add3A = arith.addi %mul3A_0, %arg1 : i32
    %mul3A_1 = arith.constant 10000 : i32
    %mul3A_2 = arith.muli %add3A, %mul3A_1 : i32
    "tpu.region"() ({
      %run_scoped3A = tpu.sem_alloc : memref<!tpu.dma_semaphore, #tpu.memory_space<semaphore_mem>>
      tpu.enqueue_dma source(%arg5 : memref<125x128xf32, #tpu.memory_space<hbm>>) target(%arg12 : memref<125x128xf32, #tpu.memory_space<vmem>>) target_semaphore(%run_scoped3A : memref<!tpu.dma_semaphore, #tpu.memory_space<semaphore_mem>>)
      tpu.wait_dma2 semaphore(%run_scoped3A : memref<!tpu.dma_semaphore, #tpu.memory_space<semaphore_mem>>) src(%arg5 : memref<125x128xf32, #tpu.memory_space<hbm>>) dst(%arg12 : memref<125x128xf32, #tpu.memory_space<vmem>>)
      tpu.yield
    }) : () -> ()
    %scan3A = arith.constant 0 : i32
    %scan3A_3 = arith.constant 0 : i32
    %scan3A_4 = arith.constant 5 : i32
    %scan3A_5 = arith.addi %scan3A_3, %scan3A_4 : i32
    %scan3A_6 = arith.constant 1 : i32
    scf.for %scan3A_21 = %scan3A_3 to %scan3A_5 step %scan3A_6  : i32 {
      %mul3A_22 = arith.constant 5 : i32
      %mul3A_23 = arith.muli %arg1, %mul3A_22 : i32
      %add3A_24 = arith.addi %mul3A_23, %scan3A_21 : i32
      "tpu.region"() ({
        %run_scoped3A_25 = tpu.sem_alloc : memref<!tpu.dma_semaphore, #tpu.memory_space<semaphore_mem>>
        %dma_start3A = arith.constant 0 : i32
        %dma_start3A_26 = arith.constant 0 : i32
        %dma_start3A_27 = tpu.memref_slice %arg7[%add3A_24, %dma_start3A, %dma_start3A_26] : memref<80x1x125xi32, #tpu.memory_space<hbm>> -> memref<1x1x125xi32, #tpu.memory_space<hbm>>
        %dma_start3A_28 = tpu.memref_squeeze %dma_start3A_27 : memref<1x1x125xi32, #tpu.memory_space<hbm>> -> memref<1x125xi32, #tpu.memory_space<hbm>>
        %dma_start3A_29 = arith.constant 0 : i32
        %dma_start3A_30 = arith.constant 0 : i32
        %dma_start3A_31 = tpu.memref_slice %arg7[%add3A_24, %dma_start3A_29, %dma_start3A_30] : memref<80x1x125xi32, #tpu.memory_space<hbm>> -> memref<1x1x125xi32, #tpu.memory_space<hbm>>
        %dma_start3A_32 = tpu.memref_squeeze %dma_start3A_31 : memref<1x1x125xi32, #tpu.memory_space<hbm>> -> memref<1x125xi32, #tpu.memory_space<hbm>>
        tpu.enqueue_dma source(%dma_start3A_32 : memref<1x125xi32, #tpu.memory_space<hbm>>) target(%arg11 : memref<1x125xi32, #tpu.memory_space<vmem>>) target_semaphore(%run_scoped3A_25 : memref<!tpu.dma_semaphore, #tpu.memory_space<semaphore_mem>>)
        %dma_wait3A = arith.constant 0 : i32
        %dma_wait3A_33 = arith.constant 0 : i32
        %dma_wait3A_34 = tpu.memref_slice %arg7[%add3A_24, %dma_wait3A, %dma_wait3A_33] : memref<80x1x125xi32, #tpu.memory_space<hbm>> -> memref<1x1x125xi32, #tpu.memory_space<hbm>>
        %dma_wait3A_35 = tpu.memref_squeeze %dma_wait3A_34 : memref<1x1x125xi32, #tpu.memory_space<hbm>> -> memref<1x125xi32, #tpu.memory_space<hbm>>
        %dma_wait3A_36 = arith.constant 0 : i32
        %dma_wait3A_37 = arith.constant 0 : i32
        %dma_wait3A_38 = tpu.memref_slice %arg7[%add3A_24, %dma_wait3A_36, %dma_wait3A_37] : memref<80x1x125xi32, #tpu.memory_space<hbm>> -> memref<1x1x125xi32, #tpu.memory_space<hbm>>
        %dma_wait3A_39 = tpu.memref_squeeze %dma_wait3A_38 : memref<1x1x125xi32, #tpu.memory_space<hbm>> -> memref<1x125xi32, #tpu.memory_space<hbm>>
        tpu.wait_dma2 semaphore(%run_scoped3A_25 : memref<!tpu.dma_semaphore, #tpu.memory_space<semaphore_mem>>) src(%dma_wait3A_39 : memref<1x125xi32, #tpu.memory_space<hbm>>) dst(%arg11 : memref<1x125xi32, #tpu.memory_space<vmem>>)
        tpu.yield
      }) : () -> ()
      %run_scoped3A = arith.constant 0 : i32
      "tpu.region"() ({
        %run_scoped3A_25 = tpu.sem_alloc : memref<!tpu.dma_semaphore, #tpu.memory_space<semaphore_mem>>
        %dma_start3A = arith.constant 0 : i32
        %dma_start3A_26 = tpu.memref_slice %arg11[%run_scoped3A, %dma_start3A] : memref<1x125xi32, #tpu.memory_space<vmem>> -> memref<1x125xi32, #tpu.memory_space<vmem>>
        %dma_start3A_27 = tpu.memref_squeeze %dma_start3A_26 : memref<1x125xi32, #tpu.memory_space<vmem>> -> memref<125xi32, #tpu.memory_space<vmem>>
        %dma_start3A_28 = arith.constant 0 : i32
        %dma_start3A_29 = arith.constant 0 : i32
        %dma_start3A_30 = tpu.memref_slice %arg13[%dma_start3A_28, %dma_start3A_29] : memref<10000x128xf32, #tpu.memory_space<vmem_shared>> -> memref<10000x128xf32, #tpu.memory_space<vmem_shared>>
        tpu.enqueue_indirect_dma source(%arg12 : memref<125x128xf32, #tpu.memory_space<vmem>>) target(%dma_start3A_30 : memref<10000x128xf32, #tpu.memory_space<vmem_shared>>) offsets(%dma_start3A_27 : memref<125xi32, #tpu.memory_space<vmem>>) semaphore(%run_scoped3A_25 : memref<!tpu.dma_semaphore, #tpu.memory_space<semaphore_mem>>)
        %dma_wait3A = arith.constant 0 : i32
        %dma_wait3A_31 = tpu.memref_slice %arg11[%run_scoped3A, %dma_wait3A] : memref<1x125xi32, #tpu.memory_space<vmem>> -> memref<1x125xi32, #tpu.memory_space<vmem>>
        %dma_wait3A_32 = tpu.memref_squeeze %dma_wait3A_31 : memref<1x125xi32, #tpu.memory_space<vmem>> -> memref<125xi32, #tpu.memory_space<vmem>>
        %dma_wait3A_33 = arith.constant 0 : i32
        %dma_wait3A_34 = arith.constant 0 : i32
        %dma_wait3A_35 = tpu.memref_slice %arg13[%dma_wait3A_33, %dma_wait3A_34] : memref<10000x128xf32, #tpu.memory_space<vmem_shared>> -> memref<10000x128xf32, #tpu.memory_space<vmem_shared>>
        tpu.wait_indirect_dma semaphore(%run_scoped3A_25 : memref<!tpu.dma_semaphore, #tpu.memory_space<semaphore_mem>>) src(%arg12 : memref<125x128xf32, #tpu.memory_space<vmem>>) dst(%dma_wait3A_35 : memref<10000x128xf32, #tpu.memory_space<vmem_shared>>)
        tpu.yield
      }) : () -> ()
    }
    %scan3A_7 = arith.constant 5 : i32
    %barrier3A = arith.constant 0 : index
    tpu.barrier barrier_id(%barrier3A)
    %scan3A_8 = arith.constant 0 : i32
    %scan3A_9 = arith.constant 0 : i32
    %scan3A_10 = arith.constant 125 : i32
    %scan3A_11 = arith.addi %scan3A_9, %scan3A_10 : i32
    %scan3A_12 = arith.constant 1 : i32
    scf.for %scan3A_21 = %scan3A_9 to %scan3A_11 step %scan3A_12  : i32 {
      %mul3A_22 = arith.constant 80 : i32
      %mul3A_23 = arith.muli %scan3A_21, %mul3A_22 : i32
      %add3A_24 = arith.addi %mul3A_2, %mul3A_23 : i32
      "tpu.region"() ({
        %run_scoped3A = tpu.sem_alloc : memref<!tpu.dma_semaphore, #tpu.memory_space<semaphore_mem>>
        %dma_start3A_35 = tpu.memref_slice %arg4[%add3A_24] : memref<320000xi32, #tpu.memory_space<hbm>> -> memref<80xi32, #tpu.memory_space<hbm>>
        %dma_start3A_36 = tpu.memref_slice %arg4[%add3A_24] : memref<320000xi32, #tpu.memory_space<hbm>> -> memref<80xi32, #tpu.memory_space<hbm>>
        tpu.enqueue_dma source(%dma_start3A_36 : memref<80xi32, #tpu.memory_space<hbm>>) target(%arg10 : memref<80xi32, #tpu.memory_space<vmem>>) target_semaphore(%run_scoped3A : memref<!tpu.dma_semaphore, #tpu.memory_space<semaphore_mem>>)
        %dma_wait3A_37 = tpu.memref_slice %arg4[%add3A_24] : memref<320000xi32, #tpu.memory_space<hbm>> -> memref<80xi32, #tpu.memory_space<hbm>>
        %dma_wait3A_38 = tpu.memref_slice %arg4[%add3A_24] : memref<320000xi32, #tpu.memory_space<hbm>> -> memref<80xi32, #tpu.memory_space<hbm>>
        tpu.wait_dma2 semaphore(%run_scoped3A : memref<!tpu.dma_semaphore, #tpu.memory_space<semaphore_mem>>) src(%dma_wait3A_38 : memref<80xi32, #tpu.memory_space<hbm>>) dst(%arg10 : memref<80xi32, #tpu.memory_space<vmem>>)
        tpu.yield
      }) : () -> ()
      "tpu.region"() ({
        %run_scoped3A = tpu.sem_alloc : memref<!tpu.dma_semaphore, #tpu.memory_space<semaphore_mem>>
        %dma_start3A_35 = tpu.memref_slice %arg3[%add3A_24] : memref<320000xi32, #tpu.memory_space<hbm>> -> memref<80xi32, #tpu.memory_space<hbm>>
        %dma_start3A_36 = tpu.memref_slice %arg3[%add3A_24] : memref<320000xi32, #tpu.memory_space<hbm>> -> memref<80xi32, #tpu.memory_space<hbm>>
        tpu.enqueue_dma source(%dma_start3A_36 : memref<80xi32, #tpu.memory_space<hbm>>) target(%arg9 : memref<80xi32, #tpu.memory_space<vmem>>) target_semaphore(%run_scoped3A : memref<!tpu.dma_semaphore, #tpu.memory_space<semaphore_mem>>)
        %dma_wait3A_37 = tpu.memref_slice %arg3[%add3A_24] : memref<320000xi32, #tpu.memory_space<hbm>> -> memref<80xi32, #tpu.memory_space<hbm>>
        %dma_wait3A_38 = tpu.memref_slice %arg3[%add3A_24] : memref<320000xi32, #tpu.memory_space<hbm>> -> memref<80xi32, #tpu.memory_space<hbm>>
        tpu.wait_dma2 semaphore(%run_scoped3A : memref<!tpu.dma_semaphore, #tpu.memory_space<semaphore_mem>>) src(%dma_wait3A_38 : memref<80xi32, #tpu.memory_space<hbm>>) dst(%arg9 : memref<80xi32, #tpu.memory_space<vmem>>)
        tpu.yield
      }) : () -> ()
      %dma_start3A = arith.constant 0 : i32
      %dma_start3A_25 = arith.constant 0 : i32
      %dma_start3A_26 = tpu.memref_slice %arg12[%dma_start3A, %dma_start3A_25] : memref<125x128xf32, #tpu.memory_space<vmem>> -> memref<80x128xf32, #tpu.memory_space<vmem>>
      %dma_start3A_27 = arith.constant 0 : i32
      %dma_start3A_28 = arith.constant 0 : i32
      %dma_start3A_29 = tpu.memref_slice %arg2[%dma_start3A_27, %dma_start3A_28] : memref<10000x128xf32, #tpu.memory_space<hbm>> -> memref<10000x128xf32, #tpu.memory_space<hbm>>
      tpu.enqueue_indirect_dma source(%dma_start3A_29 : memref<10000x128xf32, #tpu.memory_space<hbm>>) target(%dma_start3A_26 : memref<80x128xf32, #tpu.memory_space<vmem>>) offsets(%arg9 : memref<80xi32, #tpu.memory_space<vmem>>) semaphore(%arg14 : memref<!tpu.dma_semaphore, #tpu.memory_space<semaphore_mem>>)
      %dma_wait3A = arith.constant 0 : i32
      %dma_wait3A_30 = arith.constant 0 : i32
      %dma_wait3A_31 = tpu.memref_slice %arg12[%dma_wait3A, %dma_wait3A_30] : memref<125x128xf32, #tpu.memory_space<vmem>> -> memref<80x128xf32, #tpu.memory_space<vmem>>
      %dma_wait3A_32 = arith.constant 0 : i32
      %dma_wait3A_33 = arith.constant 0 : i32
      %dma_wait3A_34 = tpu.memref_slice %arg2[%dma_wait3A_32, %dma_wait3A_33] : memref<10000x128xf32, #tpu.memory_space<hbm>> -> memref<10000x128xf32, #tpu.memory_space<hbm>>
      tpu.wait_indirect_dma semaphore(%arg14 : memref<!tpu.dma_semaphore, #tpu.memory_space<semaphore_mem>>) src(%dma_wait3A_34 : memref<10000x128xf32, #tpu.memory_space<hbm>>) dst(%dma_wait3A_31 : memref<80x128xf32, #tpu.memory_space<vmem>>)
      "tpu.region"() ({
        %run_scoped3A = tpu.sem_alloc : memref<!tpu.dma_semaphore, #tpu.memory_space<semaphore_mem>>
        %dma_start3A_35 = arith.constant 0 : i32
        %dma_start3A_36 = arith.constant 0 : i32
        %dma_start3A_37 = tpu.memref_slice %arg12[%dma_start3A_35, %dma_start3A_36] : memref<125x128xf32, #tpu.memory_space<vmem>> -> memref<80x128xf32, #tpu.memory_space<vmem>>
        %dma_start3A_38 = arith.constant 0 : i32
        %dma_start3A_39 = arith.constant 0 : i32
        %dma_start3A_40 = tpu.memref_slice %arg13[%dma_start3A_38, %dma_start3A_39] : memref<10000x128xf32, #tpu.memory_space<vmem_shared>> -> memref<10000x128xf32, #tpu.memory_space<vmem_shared>>
        tpu.enqueue_indirect_dma source(%dma_start3A_37 : memref<80x128xf32, #tpu.memory_space<vmem>>) target(%dma_start3A_40 : memref<10000x128xf32, #tpu.memory_space<vmem_shared>>) offsets(%arg10 : memref<80xi32, #tpu.memory_space<vmem>>) semaphore(%run_scoped3A : memref<!tpu.dma_semaphore, #tpu.memory_space<semaphore_mem>>) {add = true}
        %dma_wait3A_41 = arith.constant 0 : i32
        %dma_wait3A_42 = arith.constant 0 : i32
        %dma_wait3A_43 = tpu.memref_slice %arg12[%dma_wait3A_41, %dma_wait3A_42] : memref<125x128xf32, #tpu.memory_space<vmem>> -> memref<80x128xf32, #tpu.memory_space<vmem>>
        %dma_wait3A_44 = arith.constant 0 : i32
        %dma_wait3A_45 = arith.constant 0 : i32
        %dma_wait3A_46 = tpu.memref_slice %arg13[%dma_wait3A_44, %dma_wait3A_45] : memref<10000x128xf32, #tpu.memory_space<vmem_shared>> -> memref<10000x128xf32, #tpu.memory_space<vmem_shared>>
        tpu.wait_indirect_dma semaphore(%run_scoped3A : memref<!tpu.dma_semaphore, #tpu.memory_space<semaphore_mem>>) src(%dma_wait3A_43 : memref<80x128xf32, #tpu.memory_space<vmem>>) dst(%dma_wait3A_46 : memref<10000x128xf32, #tpu.memory_space<vmem_shared>>)
        tpu.yield
      }) : () -> ()
    }
    %scan3A_13 = arith.constant 125 : i32
    %barrier3A_14 = arith.constant 0 : index
    tpu.barrier barrier_id(%barrier3A_14)
    %scan3A_15 = arith.constant 0 : i32
    %scan3A_16 = arith.constant 0 : i32
    %scan3A_17 = arith.constant 5 : i32
    %scan3A_18 = arith.addi %scan3A_16, %scan3A_17 : i32
    %scan3A_19 = arith.constant 1 : i32
    scf.for %scan3A_21 = %scan3A_16 to %scan3A_18 step %scan3A_19  : i32 {
      %mul3A_22 = arith.constant 5 : i32
      %mul3A_23 = arith.muli %arg1, %mul3A_22 : i32
      %add3A_24 = arith.addi %mul3A_23, %scan3A_21 : i32
      "tpu.region"() ({
        %run_scoped3A = tpu.sem_alloc : memref<!tpu.dma_semaphore, #tpu.memory_space<semaphore_mem>>
        %dma_start3A_37 = arith.constant 0 : i32
        %dma_start3A_38 = arith.constant 0 : i32
        %dma_start3A_39 = tpu.memref_slice %arg7[%add3A_24, %dma_start3A_37, %dma_start3A_38] : memref<80x1x125xi32, #tpu.memory_space<hbm>> -> memref<1x1x125xi32, #tpu.memory_space<hbm>>
        %dma_start3A_40 = tpu.memref_squeeze %dma_start3A_39 : memref<1x1x125xi32, #tpu.memory_space<hbm>> -> memref<1x125xi32, #tpu.memory_space<hbm>>
        %dma_start3A_41 = arith.constant 0 : i32
        %dma_start3A_42 = arith.constant 0 : i32
        %dma_start3A_43 = tpu.memref_slice %arg7[%add3A_24, %dma_start3A_41, %dma_start3A_42] : memref<80x1x125xi32, #tpu.memory_space<hbm>> -> memref<1x1x125xi32, #tpu.memory_space<hbm>>
        %dma_start3A_44 = tpu.memref_squeeze %dma_start3A_43 : memref<1x1x125xi32, #tpu.memory_space<hbm>> -> memref<1x125xi32, #tpu.memory_space<hbm>>
        tpu.enqueue_dma source(%dma_start3A_44 : memref<1x125xi32, #tpu.memory_space<hbm>>) target(%arg11 : memref<1x125xi32, #tpu.memory_space<vmem>>) target_semaphore(%run_scoped3A : memref<!tpu.dma_semaphore, #tpu.memory_space<semaphore_mem>>)
        %dma_wait3A_45 = arith.constant 0 : i32
        %dma_wait3A_46 = arith.constant 0 : i32
        %dma_wait3A_47 = tpu.memref_slice %arg7[%add3A_24, %dma_wait3A_45, %dma_wait3A_46] : memref<80x1x125xi32, #tpu.memory_space<hbm>> -> memref<1x1x125xi32, #tpu.memory_space<hbm>>
        %dma_wait3A_48 = tpu.memref_squeeze %dma_wait3A_47 : memref<1x1x125xi32, #tpu.memory_space<hbm>> -> memref<1x125xi32, #tpu.memory_space<hbm>>
        %dma_wait3A_49 = arith.constant 0 : i32
        %dma_wait3A_50 = arith.constant 0 : i32
        %dma_wait3A_51 = tpu.memref_slice %arg7[%add3A_24, %dma_wait3A_49, %dma_wait3A_50] : memref<80x1x125xi32, #tpu.memory_space<hbm>> -> memref<1x1x125xi32, #tpu.memory_space<hbm>>
        %dma_wait3A_52 = tpu.memref_squeeze %dma_wait3A_51 : memref<1x1x125xi32, #tpu.memory_space<hbm>> -> memref<1x125xi32, #tpu.memory_space<hbm>>
        tpu.wait_dma2 semaphore(%run_scoped3A : memref<!tpu.dma_semaphore, #tpu.memory_space<semaphore_mem>>) src(%dma_wait3A_52 : memref<1x125xi32, #tpu.memory_space<hbm>>) dst(%arg11 : memref<1x125xi32, #tpu.memory_space<vmem>>)
        tpu.yield
      }) : () -> ()
      %dma_start3A = arith.constant 0 : i32
      %dma_start3A_25 = arith.constant 0 : i32
      %dma_start3A_26 = tpu.memref_slice %arg11[%dma_start3A, %dma_start3A_25] : memref<1x125xi32, #tpu.memory_space<vmem>> -> memref<1x125xi32, #tpu.memory_space<vmem>>
      %dma_start3A_27 = tpu.memref_squeeze %dma_start3A_26 : memref<1x125xi32, #tpu.memory_space<vmem>> -> memref<125xi32, #tpu.memory_space<vmem>>
      %dma_start3A_28 = arith.constant 0 : i32
      %dma_start3A_29 = arith.constant 0 : i32
      %dma_start3A_30 = tpu.memref_slice %arg13[%dma_start3A_28, %dma_start3A_29] : memref<10000x128xf32, #tpu.memory_space<vmem_shared>> -> memref<10000x128xf32, #tpu.memory_space<vmem_shared>>
      tpu.enqueue_indirect_dma source(%dma_start3A_30 : memref<10000x128xf32, #tpu.memory_space<vmem_shared>>) target(%arg12 : memref<125x128xf32, #tpu.memory_space<vmem>>) offsets(%dma_start3A_27 : memref<125xi32, #tpu.memory_space<vmem>>) semaphore(%arg14 : memref<!tpu.dma_semaphore, #tpu.memory_space<semaphore_mem>>)
      %dma_wait3A = arith.constant 0 : i32
      %dma_wait3A_31 = arith.constant 0 : i32
      %dma_wait3A_32 = tpu.memref_slice %arg11[%dma_wait3A, %dma_wait3A_31] : memref<1x125xi32, #tpu.memory_space<vmem>> -> memref<1x125xi32, #tpu.memory_space<vmem>>
      %dma_wait3A_33 = tpu.memref_squeeze %dma_wait3A_32 : memref<1x125xi32, #tpu.memory_space<vmem>> -> memref<125xi32, #tpu.memory_space<vmem>>
      %dma_wait3A_34 = arith.constant 0 : i32
      %dma_wait3A_35 = arith.constant 0 : i32
      %dma_wait3A_36 = tpu.memref_slice %arg13[%dma_wait3A_34, %dma_wait3A_35] : memref<10000x128xf32, #tpu.memory_space<vmem_shared>> -> memref<10000x128xf32, #tpu.memory_space<vmem_shared>>
      tpu.wait_indirect_dma semaphore(%arg14 : memref<!tpu.dma_semaphore, #tpu.memory_space<semaphore_mem>>) src(%dma_wait3A_36 : memref<10000x128xf32, #tpu.memory_space<vmem_shared>>) dst(%arg12 : memref<125x128xf32, #tpu.memory_space<vmem>>)
      "tpu.region"() ({
        %run_scoped3A = tpu.sem_alloc : memref<!tpu.dma_semaphore, #tpu.memory_space<semaphore_mem>>
        %dma_start3A_37 = arith.constant 0 : i32
        %dma_start3A_38 = arith.constant 0 : i32
        %dma_start3A_39 = tpu.memref_slice %arg8[%arg0, %add3A_24, %dma_start3A_37, %dma_start3A_38] : memref<2x80x125x128xf32, #tpu.memory_space<hbm>> -> memref<1x1x125x128xf32, #tpu.memory_space<hbm>>
        %dma_start3A_40 = tpu.memref_squeeze %dma_start3A_39 : memref<1x1x125x128xf32, #tpu.memory_space<hbm>> -> memref<125x128xf32, #tpu.memory_space<hbm>>
        %dma_start3A_41 = arith.constant 0 : i32
        %dma_start3A_42 = arith.constant 0 : i32
        %dma_start3A_43 = tpu.memref_slice %arg8[%arg0, %add3A_24, %dma_start3A_41, %dma_start3A_42] : memref<2x80x125x128xf32, #tpu.memory_space<hbm>> -> memref<1x1x125x128xf32, #tpu.memory_space<hbm>>
        %dma_start3A_44 = tpu.memref_squeeze %dma_start3A_43 : memref<1x1x125x128xf32, #tpu.memory_space<hbm>> -> memref<125x128xf32, #tpu.memory_space<hbm>>
        tpu.enqueue_dma source(%arg12 : memref<125x128xf32, #tpu.memory_space<vmem>>) target(%dma_start3A_44 : memref<125x128xf32, #tpu.memory_space<hbm>>) target_semaphore(%run_scoped3A : memref<!tpu.dma_semaphore, #tpu.memory_space<semaphore_mem>>)
        %dma_wait3A_45 = arith.constant 0 : i32
        %dma_wait3A_46 = arith.constant 0 : i32
        %dma_wait3A_47 = tpu.memref_slice %arg8[%arg0, %add3A_24, %dma_wait3A_45, %dma_wait3A_46] : memref<2x80x125x128xf32, #tpu.memory_space<hbm>> -> memref<1x1x125x128xf32, #tpu.memory_space<hbm>>
        %dma_wait3A_48 = tpu.memref_squeeze %dma_wait3A_47 : memref<1x1x125x128xf32, #tpu.memory_space<hbm>> -> memref<125x128xf32, #tpu.memory_space<hbm>>
        %dma_wait3A_49 = arith.constant 0 : i32
        %dma_wait3A_50 = arith.constant 0 : i32
        %dma_wait3A_51 = tpu.memref_slice %arg8[%arg0, %add3A_24, %dma_wait3A_49, %dma_wait3A_50] : memref<2x80x125x128xf32, #tpu.memory_space<hbm>> -> memref<1x1x125x128xf32, #tpu.memory_space<hbm>>
        %dma_wait3A_52 = tpu.memref_squeeze %dma_wait3A_51 : memref<1x1x125x128xf32, #tpu.memory_space<hbm>> -> memref<125x128xf32, #tpu.memory_space<hbm>>
        tpu.wait_dma2 semaphore(%run_scoped3A : memref<!tpu.dma_semaphore, #tpu.memory_space<semaphore_mem>>) src(%arg12 : memref<125x128xf32, #tpu.memory_space<vmem>>) dst(%dma_wait3A_52 : memref<125x128xf32, #tpu.memory_space<hbm>>)
        tpu.yield
      }) : () -> ()
    }
    %scan3A_20 = arith.constant 5 : i32
    return
  }
}

#map = affine_map<(d0, d1) -> (0, 0)>
#map1 = affine_map<(d0, d1) -> (0)>
#map2 = affine_map<(d0, d1) -> (0, 0, 0)>
#map3 = affine_map<(d0, d1) -> (0, 0, 0, 0)>
module attributes {stable_mosaic.version = 14 : i64} {
  func.func @body(%arg0: i32, %arg1: i32, %arg2: memref<10000x128xf32, #tpu.memory_space<hbm>>, %arg3: memref<320000xi32, #tpu.memory_space<hbm>>, %arg4: memref<320000xi32, #tpu.memory_space<hbm>>, %arg5: memref<125x128xf32, #tpu.memory_space<hbm>>, %arg6: memref<125x128xf32, #tpu.memory_space<hbm>>, %arg7: memref<80x1x125xi32, #tpu.memory_space<hbm>>, %arg8: memref<2x80x125x128xf32, #tpu.memory_space<hbm>>, %arg9: memref<80xi32, #tpu.memory_space<vmem>>, %arg10: memref<80xi32, #tpu.memory_space<vmem>>, %arg11: memref<1x125xi32, #tpu.memory_space<vmem>>, %arg12: memref<125x128xf32, #tpu.memory_space<vmem>>, %arg13: memref<10000x128xf32, #tpu.memory_space<vmem_shared>>, %arg14: memref<!tpu.dma_semaphore, #tpu.memory_space<semaphore_mem>>) attributes {dimension_semantics = [#tpu.dimension_semantics<core_parallel>, #tpu.dimension_semantics<subcore_parallel>], iteration_bounds = array<i64: 2, 16>, scalar_prefetch = 0 : i64, scratch_operands = 6 : i64, tpu.core_type = #tpu.core_type<sc_vector_subcore>, window_params = [{transform_indices = #map}, {transform_indices = #map1}, {transform_indices = #map1}, {transform_indices = #map}, {transform_indices = #map}, {transform_indices = #map2}, {transform_indices = #map3}]} {
    %mul3A = arith.constant 16 : i32
    %mul3A_0 = arith.muli %arg0, %mul3A : i32
    %add3A = arith.addi %mul3A_0, %arg1 : i32
    %mul3A_1 = arith.constant 10000 : i32
    %mul3A_2 = arith.muli %add3A, %mul3A_1 : i32
    "tpu.region"() ({
      %run_scoped3A = tpu.sem_alloc : memref<!tpu.dma_semaphore, #tpu.memory_space<semaphore_mem>>
      tpu.enqueue_dma source(%arg5 : memref<125x128xf32, #tpu.memory_space<hbm>>) target(%arg12 : memref<125x128xf32, #tpu.memory_space<vmem>>) target_semaphore(%run_scoped3A : memref<!tpu.dma_semaphore, #tpu.memory_space<semaphore_mem>>)
      tpu.wait_dma2 semaphore(%run_scoped3A : memref<!tpu.dma_semaphore, #tpu.memory_space<semaphore_mem>>) src(%arg5 : memref<125x128xf32, #tpu.memory_space<hbm>>) dst(%arg12 : memref<125x128xf32, #tpu.memory_space<vmem>>)
      tpu.yield
    }) : () -> ()
    %scan3A = arith.constant 0 : i32
    %scan3A_3 = arith.constant 0 : i32
    %scan3A_4 = arith.constant 5 : i32
    %scan3A_5 = arith.addi %scan3A_3, %scan3A_4 : i32
    %scan3A_6 = arith.constant 1 : i32
    scf.for %scan3A_21 = %scan3A_3 to %scan3A_5 step %scan3A_6  : i32 {
      %mul3A_22 = arith.constant 5 : i32
      %mul3A_23 = arith.muli %arg1, %mul3A_22 : i32
      %add3A_24 = arith.addi %mul3A_23, %scan3A_21 : i32
      "tpu.region"() ({
        %run_scoped3A_25 = tpu.sem_alloc : memref<!tpu.dma_semaphore, #tpu.memory_space<semaphore_mem>>
        %dma_start3A = arith.constant 0 : i32
        %dma_start3A_26 = arith.constant 0 : i32
        %dma_start3A_27 = tpu.memref_slice %arg7[%add3A_24, %dma_start3A, %dma_start3A_26] : memref<80x1x125xi32, #tpu.memory_space<hbm>> -> memref<1x1x125xi32, #tpu.memory_space<hbm>>
        %dma_start3A_28 = tpu.memref_squeeze %dma_start3A_27 : memref<1x1x125xi32, #tpu.memory_space<hbm>> -> memref<1x125xi32, #tpu.memory_space<hbm>>
        %dma_start3A_29 = arith.constant 0 : i32
        %dma_start3A_30 = arith.constant 0 : i32
        %dma_start3A_31 = tpu.memref_slice %arg7[%add3A_24, %dma_start3A_29, %dma_start3A_30] : memref<80x1x125xi32, #tpu.memory_space<hbm>> -> memref<1x1x125xi32, #tpu.memory_space<hbm>>
        %dma_start3A_32 = tpu.memref_squeeze %dma_start3A_31 : memref<1x1x125xi32, #tpu.memory_space<hbm>> -> memref<1x125xi32, #tpu.memory_space<hbm>>
        tpu.enqueue_dma source(%dma_start3A_32 : memref<1x125xi32, #tpu.memory_space<hbm>>) target(%arg11 : memref<1x125xi32, #tpu.memory_space<vmem>>) target_semaphore(%run_scoped3A_25 : memref<!tpu.dma_semaphore, #tpu.memory_space<semaphore_mem>>)
        %dma_wait3A = arith.constant 0 : i32
        %dma_wait3A_33 = arith.constant 0 : i32
        %dma_wait3A_34 = tpu.memref_slice %arg7[%add3A_24, %dma_wait3A, %dma_wait3A_33] : memref<80x1x125xi32, #tpu.memory_space<hbm>> -> memref<1x1x125xi32, #tpu.memory_space<hbm>>
        %dma_wait3A_35 = tpu.memref_squeeze %dma_wait3A_34 : memref<1x1x125xi32, #tpu.memory_space<hbm>> -> memref<1x125xi32, #tpu.memory_space<hbm>>
        %dma_wait3A_36 = arith.constant 0 : i32
        %dma_wait3A_37 = arith.constant 0 : i32
        %dma_wait3A_38 = tpu.memref_slice %arg7[%add3A_24, %dma_wait3A_36, %dma_wait3A_37] : memref<80x1x125xi32, #tpu.memory_space<hbm>> -> memref<1x1x125xi32, #tpu.memory_space<hbm>>
        %dma_wait3A_39 = tpu.memref_squeeze %dma_wait3A_38 : memref<1x1x125xi32, #tpu.memory_space<hbm>> -> memref<1x125xi32, #tpu.memory_space<hbm>>
        tpu.wait_dma2 semaphore(%run_scoped3A_25 : memref<!tpu.dma_semaphore, #tpu.memory_space<semaphore_mem>>) src(%dma_wait3A_39 : memref<1x125xi32, #tpu.memory_space<hbm>>) dst(%arg11 : memref<1x125xi32, #tpu.memory_space<vmem>>)
        tpu.yield
      }) : () -> ()
      %run_scoped3A = arith.constant 0 : i32
      "tpu.region"() ({
        %run_scoped3A_25 = tpu.sem_alloc : memref<!tpu.dma_semaphore, #tpu.memory_space<semaphore_mem>>
        %dma_start3A = arith.constant 0 : i32
        %dma_start3A_26 = tpu.memref_slice %arg11[%run_scoped3A, %dma_start3A] : memref<1x125xi32, #tpu.memory_space<vmem>> -> memref<1x125xi32, #tpu.memory_space<vmem>>
        %dma_start3A_27 = tpu.memref_squeeze %dma_start3A_26 : memref<1x125xi32, #tpu.memory_space<vmem>> -> memref<125xi32, #tpu.memory_space<vmem>>
        %dma_start3A_28 = arith.constant 0 : i32
        %dma_start3A_29 = arith.constant 0 : i32
        %dma_start3A_30 = tpu.memref_slice %arg13[%dma_start3A_28, %dma_start3A_29] : memref<10000x128xf32, #tpu.memory_space<vmem_shared>> -> memref<10000x128xf32, #tpu.memory_space<vmem_shared>>
        tpu.enqueue_indirect_dma source(%arg12 : memref<125x128xf32, #tpu.memory_space<vmem>>) target(%dma_start3A_30 : memref<10000x128xf32, #tpu.memory_space<vmem_shared>>) offsets(%dma_start3A_27 : memref<125xi32, #tpu.memory_space<vmem>>) semaphore(%run_scoped3A_25 : memref<!tpu.dma_semaphore, #tpu.memory_space<semaphore_mem>>)
        %dma_wait3A = arith.constant 0 : i32
        %dma_wait3A_31 = tpu.memref_slice %arg11[%run_scoped3A, %dma_wait3A] : memref<1x125xi32, #tpu.memory_space<vmem>> -> memref<1x125xi32, #tpu.memory_space<vmem>>
        %dma_wait3A_32 = tpu.memref_squeeze %dma_wait3A_31 : memref<1x125xi32, #tpu.memory_space<vmem>> -> memref<125xi32, #tpu.memory_space<vmem>>
        %dma_wait3A_33 = arith.constant 0 : i32
        %dma_wait3A_34 = arith.constant 0 : i32
        %dma_wait3A_35 = tpu.memref_slice %arg13[%dma_wait3A_33, %dma_wait3A_34] : memref<10000x128xf32, #tpu.memory_space<vmem_shared>> -> memref<10000x128xf32, #tpu.memory_space<vmem_shared>>
        tpu.wait_indirect_dma semaphore(%run_scoped3A_25 : memref<!tpu.dma_semaphore, #tpu.memory_space<semaphore_mem>>) src(%arg12 : memref<125x128xf32, #tpu.memory_space<vmem>>) dst(%dma_wait3A_35 : memref<10000x128xf32, #tpu.memory_space<vmem_shared>>)
        tpu.yield
      }) : () -> ()
    }
    %scan3A_7 = arith.constant 5 : i32
    "tpu.region"() ({
      %run_scoped3A = tpu.sem_alloc : memref<!tpu.dma_semaphore, #tpu.memory_space<semaphore_mem>>
      tpu.enqueue_dma source(%arg6 : memref<125x128xf32, #tpu.memory_space<hbm>>) target(%arg12 : memref<125x128xf32, #tpu.memory_space<vmem>>) target_semaphore(%run_scoped3A : memref<!tpu.dma_semaphore, #tpu.memory_space<semaphore_mem>>)
      tpu.wait_dma2 semaphore(%run_scoped3A : memref<!tpu.dma_semaphore, #tpu.memory_space<semaphore_mem>>) src(%arg6 : memref<125x128xf32, #tpu.memory_space<hbm>>) dst(%arg12 : memref<125x128xf32, #tpu.memory_space<vmem>>)
      tpu.yield
    }) : () -> ()
    %barrier3A = arith.constant 0 : index
    tpu.barrier barrier_id(%barrier3A)
    %scan3A_8 = arith.constant 0 : i32
    %scan3A_9 = arith.constant 0 : i32
    %scan3A_10 = arith.constant 125 : i32
    %scan3A_11 = arith.addi %scan3A_9, %scan3A_10 : i32
    %scan3A_12 = arith.constant 1 : i32
    scf.for %scan3A_21 = %scan3A_9 to %scan3A_11 step %scan3A_12  : i32 {
      %mul3A_22 = arith.constant 80 : i32
      %mul3A_23 = arith.muli %scan3A_21, %mul3A_22 : i32
      %add3A_24 = arith.addi %mul3A_2, %mul3A_23 : i32
      "tpu.region"() ({
        %run_scoped3A = tpu.sem_alloc : memref<!tpu.dma_semaphore, #tpu.memory_space<semaphore_mem>>
        %dma_start3A = tpu.memref_slice %arg4[%add3A_24] : memref<320000xi32, #tpu.memory_space<hbm>> -> memref<80xi32, #tpu.memory_space<hbm>>
        %dma_start3A_25 = tpu.memref_slice %arg4[%add3A_24] : memref<320000xi32, #tpu.memory_space<hbm>> -> memref<80xi32, #tpu.memory_space<hbm>>
        tpu.enqueue_dma source(%dma_start3A_25 : memref<80xi32, #tpu.memory_space<hbm>>) target(%arg10 : memref<80xi32, #tpu.memory_space<vmem>>) target_semaphore(%run_scoped3A : memref<!tpu.dma_semaphore, #tpu.memory_space<semaphore_mem>>)
        %dma_wait3A = tpu.memref_slice %arg4[%add3A_24] : memref<320000xi32, #tpu.memory_space<hbm>> -> memref<80xi32, #tpu.memory_space<hbm>>
        %dma_wait3A_26 = tpu.memref_slice %arg4[%add3A_24] : memref<320000xi32, #tpu.memory_space<hbm>> -> memref<80xi32, #tpu.memory_space<hbm>>
        tpu.wait_dma2 semaphore(%run_scoped3A : memref<!tpu.dma_semaphore, #tpu.memory_space<semaphore_mem>>) src(%dma_wait3A_26 : memref<80xi32, #tpu.memory_space<hbm>>) dst(%arg10 : memref<80xi32, #tpu.memory_space<vmem>>)
        tpu.yield
      }) : () -> ()
      "tpu.region"() ({
        %run_scoped3A = tpu.sem_alloc : memref<!tpu.dma_semaphore, #tpu.memory_space<semaphore_mem>>
        %dma_start3A = arith.constant 0 : i32
        %dma_start3A_25 = arith.constant 0 : i32
        %dma_start3A_26 = tpu.memref_slice %arg12[%dma_start3A, %dma_start3A_25] : memref<125x128xf32, #tpu.memory_space<vmem>> -> memref<80x128xf32, #tpu.memory_space<vmem>>
        %dma_start3A_27 = arith.constant 0 : i32
        %dma_start3A_28 = arith.constant 0 : i32
        %dma_start3A_29 = tpu.memref_slice %arg13[%dma_start3A_27, %dma_start3A_28] : memref<10000x128xf32, #tpu.memory_space<vmem_shared>> -> memref<10000x128xf32, #tpu.memory_space<vmem_shared>>
        tpu.enqueue_indirect_dma source(%dma_start3A_26 : memref<80x128xf32, #tpu.memory_space<vmem>>) target(%dma_start3A_29 : memref<10000x128xf32, #tpu.memory_space<vmem_shared>>) offsets(%arg10 : memref<80xi32, #tpu.memory_space<vmem>>) semaphore(%run_scoped3A : memref<!tpu.dma_semaphore, #tpu.memory_space<semaphore_mem>>) {add = true}
        %dma_wait3A = arith.constant 0 : i32
        %dma_wait3A_30 = arith.constant 0 : i32
        %dma_wait3A_31 = tpu.memref_slice %arg12[%dma_wait3A, %dma_wait3A_30] : memref<125x128xf32, #tpu.memory_space<vmem>> -> memref<80x128xf32, #tpu.memory_space<vmem>>
        %dma_wait3A_32 = arith.constant 0 : i32
        %dma_wait3A_33 = arith.constant 0 : i32
        %dma_wait3A_34 = tpu.memref_slice %arg13[%dma_wait3A_32, %dma_wait3A_33] : memref<10000x128xf32, #tpu.memory_space<vmem_shared>> -> memref<10000x128xf32, #tpu.memory_space<vmem_shared>>
        tpu.wait_indirect_dma semaphore(%run_scoped3A : memref<!tpu.dma_semaphore, #tpu.memory_space<semaphore_mem>>) src(%dma_wait3A_31 : memref<80x128xf32, #tpu.memory_space<vmem>>) dst(%dma_wait3A_34 : memref<10000x128xf32, #tpu.memory_space<vmem_shared>>)
        tpu.yield
      }) : () -> ()
    }
    %scan3A_13 = arith.constant 125 : i32
    %barrier3A_14 = arith.constant 0 : index
    tpu.barrier barrier_id(%barrier3A_14)
    %scan3A_15 = arith.constant 0 : i32
    %scan3A_16 = arith.constant 0 : i32
    %scan3A_17 = arith.constant 5 : i32
    %scan3A_18 = arith.addi %scan3A_16, %scan3A_17 : i32
    %scan3A_19 = arith.constant 1 : i32
    scf.for %scan3A_21 = %scan3A_16 to %scan3A_18 step %scan3A_19  : i32 {
      %mul3A_22 = arith.constant 5 : i32
      %mul3A_23 = arith.muli %arg1, %mul3A_22 : i32
      %add3A_24 = arith.addi %mul3A_23, %scan3A_21 : i32
      "tpu.region"() ({
        %run_scoped3A = tpu.sem_alloc : memref<!tpu.dma_semaphore, #tpu.memory_space<semaphore_mem>>
        %dma_start3A_37 = arith.constant 0 : i32
        %dma_start3A_38 = arith.constant 0 : i32
        %dma_start3A_39 = tpu.memref_slice %arg7[%add3A_24, %dma_start3A_37, %dma_start3A_38] : memref<80x1x125xi32, #tpu.memory_space<hbm>> -> memref<1x1x125xi32, #tpu.memory_space<hbm>>
        %dma_start3A_40 = tpu.memref_squeeze %dma_start3A_39 : memref<1x1x125xi32, #tpu.memory_space<hbm>> -> memref<1x125xi32, #tpu.memory_space<hbm>>
        %dma_start3A_41 = arith.constant 0 : i32
        %dma_start3A_42 = arith.constant 0 : i32
        %dma_start3A_43 = tpu.memref_slice %arg7[%add3A_24, %dma_start3A_41, %dma_start3A_42] : memref<80x1x125xi32, #tpu.memory_space<hbm>> -> memref<1x1x125xi32, #tpu.memory_space<hbm>>
        %dma_start3A_44 = tpu.memref_squeeze %dma_start3A_43 : memref<1x1x125xi32, #tpu.memory_space<hbm>> -> memref<1x125xi32, #tpu.memory_space<hbm>>
        tpu.enqueue_dma source(%dma_start3A_44 : memref<1x125xi32, #tpu.memory_space<hbm>>) target(%arg11 : memref<1x125xi32, #tpu.memory_space<vmem>>) target_semaphore(%run_scoped3A : memref<!tpu.dma_semaphore, #tpu.memory_space<semaphore_mem>>)
        %dma_wait3A_45 = arith.constant 0 : i32
        %dma_wait3A_46 = arith.constant 0 : i32
        %dma_wait3A_47 = tpu.memref_slice %arg7[%add3A_24, %dma_wait3A_45, %dma_wait3A_46] : memref<80x1x125xi32, #tpu.memory_space<hbm>> -> memref<1x1x125xi32, #tpu.memory_space<hbm>>
        %dma_wait3A_48 = tpu.memref_squeeze %dma_wait3A_47 : memref<1x1x125xi32, #tpu.memory_space<hbm>> -> memref<1x125xi32, #tpu.memory_space<hbm>>
        %dma_wait3A_49 = arith.constant 0 : i32
        %dma_wait3A_50 = arith.constant 0 : i32
        %dma_wait3A_51 = tpu.memref_slice %arg7[%add3A_24, %dma_wait3A_49, %dma_wait3A_50] : memref<80x1x125xi32, #tpu.memory_space<hbm>> -> memref<1x1x125xi32, #tpu.memory_space<hbm>>
        %dma_wait3A_52 = tpu.memref_squeeze %dma_wait3A_51 : memref<1x1x125xi32, #tpu.memory_space<hbm>> -> memref<1x125xi32, #tpu.memory_space<hbm>>
        tpu.wait_dma2 semaphore(%run_scoped3A : memref<!tpu.dma_semaphore, #tpu.memory_space<semaphore_mem>>) src(%dma_wait3A_52 : memref<1x125xi32, #tpu.memory_space<hbm>>) dst(%arg11 : memref<1x125xi32, #tpu.memory_space<vmem>>)
        tpu.yield
      }) : () -> ()
      %dma_start3A = arith.constant 0 : i32
      %dma_start3A_25 = arith.constant 0 : i32
      %dma_start3A_26 = tpu.memref_slice %arg11[%dma_start3A, %dma_start3A_25] : memref<1x125xi32, #tpu.memory_space<vmem>> -> memref<1x125xi32, #tpu.memory_space<vmem>>
      %dma_start3A_27 = tpu.memref_squeeze %dma_start3A_26 : memref<1x125xi32, #tpu.memory_space<vmem>> -> memref<125xi32, #tpu.memory_space<vmem>>
      %dma_start3A_28 = arith.constant 0 : i32
      %dma_start3A_29 = arith.constant 0 : i32
      %dma_start3A_30 = tpu.memref_slice %arg13[%dma_start3A_28, %dma_start3A_29] : memref<10000x128xf32, #tpu.memory_space<vmem_shared>> -> memref<10000x128xf32, #tpu.memory_space<vmem_shared>>
      tpu.enqueue_indirect_dma source(%dma_start3A_30 : memref<10000x128xf32, #tpu.memory_space<vmem_shared>>) target(%arg12 : memref<125x128xf32, #tpu.memory_space<vmem>>) offsets(%dma_start3A_27 : memref<125xi32, #tpu.memory_space<vmem>>) semaphore(%arg14 : memref<!tpu.dma_semaphore, #tpu.memory_space<semaphore_mem>>)
      %dma_wait3A = arith.constant 0 : i32
      %dma_wait3A_31 = arith.constant 0 : i32
      %dma_wait3A_32 = tpu.memref_slice %arg11[%dma_wait3A, %dma_wait3A_31] : memref<1x125xi32, #tpu.memory_space<vmem>> -> memref<1x125xi32, #tpu.memory_space<vmem>>
      %dma_wait3A_33 = tpu.memref_squeeze %dma_wait3A_32 : memref<1x125xi32, #tpu.memory_space<vmem>> -> memref<125xi32, #tpu.memory_space<vmem>>
      %dma_wait3A_34 = arith.constant 0 : i32
      %dma_wait3A_35 = arith.constant 0 : i32
      %dma_wait3A_36 = tpu.memref_slice %arg13[%dma_wait3A_34, %dma_wait3A_35] : memref<10000x128xf32, #tpu.memory_space<vmem_shared>> -> memref<10000x128xf32, #tpu.memory_space<vmem_shared>>
      tpu.wait_indirect_dma semaphore(%arg14 : memref<!tpu.dma_semaphore, #tpu.memory_space<semaphore_mem>>) src(%dma_wait3A_36 : memref<10000x128xf32, #tpu.memory_space<vmem_shared>>) dst(%arg12 : memref<125x128xf32, #tpu.memory_space<vmem>>)
      "tpu.region"() ({
        %run_scoped3A = tpu.sem_alloc : memref<!tpu.dma_semaphore, #tpu.memory_space<semaphore_mem>>
        %dma_start3A_37 = arith.constant 0 : i32
        %dma_start3A_38 = arith.constant 0 : i32
        %dma_start3A_39 = tpu.memref_slice %arg8[%arg0, %add3A_24, %dma_start3A_37, %dma_start3A_38] : memref<2x80x125x128xf32, #tpu.memory_space<hbm>> -> memref<1x1x125x128xf32, #tpu.memory_space<hbm>>
        %dma_start3A_40 = tpu.memref_squeeze %dma_start3A_39 : memref<1x1x125x128xf32, #tpu.memory_space<hbm>> -> memref<125x128xf32, #tpu.memory_space<hbm>>
        %dma_start3A_41 = arith.constant 0 : i32
        %dma_start3A_42 = arith.constant 0 : i32
        %dma_start3A_43 = tpu.memref_slice %arg8[%arg0, %add3A_24, %dma_start3A_41, %dma_start3A_42] : memref<2x80x125x128xf32, #tpu.memory_space<hbm>> -> memref<1x1x125x128xf32, #tpu.memory_space<hbm>>
        %dma_start3A_44 = tpu.memref_squeeze %dma_start3A_43 : memref<1x1x125x128xf32, #tpu.memory_space<hbm>> -> memref<125x128xf32, #tpu.memory_space<hbm>>
        tpu.enqueue_dma source(%arg12 : memref<125x128xf32, #tpu.memory_space<vmem>>) target(%dma_start3A_44 : memref<125x128xf32, #tpu.memory_space<hbm>>) target_semaphore(%run_scoped3A : memref<!tpu.dma_semaphore, #tpu.memory_space<semaphore_mem>>)
        %dma_wait3A_45 = arith.constant 0 : i32
        %dma_wait3A_46 = arith.constant 0 : i32
        %dma_wait3A_47 = tpu.memref_slice %arg8[%arg0, %add3A_24, %dma_wait3A_45, %dma_wait3A_46] : memref<2x80x125x128xf32, #tpu.memory_space<hbm>> -> memref<1x1x125x128xf32, #tpu.memory_space<hbm>>
        %dma_wait3A_48 = tpu.memref_squeeze %dma_wait3A_47 : memref<1x1x125x128xf32, #tpu.memory_space<hbm>> -> memref<125x128xf32, #tpu.memory_space<hbm>>
        %dma_wait3A_49 = arith.constant 0 : i32
        %dma_wait3A_50 = arith.constant 0 : i32
        %dma_wait3A_51 = tpu.memref_slice %arg8[%arg0, %add3A_24, %dma_wait3A_49, %dma_wait3A_50] : memref<2x80x125x128xf32, #tpu.memory_space<hbm>> -> memref<1x1x125x128xf32, #tpu.memory_space<hbm>>
        %dma_wait3A_52 = tpu.memref_squeeze %dma_wait3A_51 : memref<1x1x125x128xf32, #tpu.memory_space<hbm>> -> memref<125x128xf32, #tpu.memory_space<hbm>>
        tpu.wait_dma2 semaphore(%run_scoped3A : memref<!tpu.dma_semaphore, #tpu.memory_space<semaphore_mem>>) src(%arg12 : memref<125x128xf32, #tpu.memory_space<vmem>>) dst(%dma_wait3A_52 : memref<125x128xf32, #tpu.memory_space<hbm>>)
        tpu.yield
      }) : () -> ()
    }
    %scan3A_20 = arith.constant 5 : i32
    return
  }
}

#map = affine_map<(d0, d1) -> (0, 0)>
#map1 = affine_map<(d0, d1) -> (0)>
#map2 = affine_map<(d0, d1) -> (0, 0, 0)>
#map3 = affine_map<(d0, d1) -> (0, 0, 0, 0)>
module attributes {stable_mosaic.version = 14 : i64} {
  func.func @body(%arg0: i32, %arg1: i32, %arg2: memref<10000x128xf32, #tpu.memory_space<hbm>>, %arg3: memref<320000xi32, #tpu.memory_space<hbm>>, %arg4: memref<320000xi32, #tpu.memory_space<hbm>>, %arg5: memref<125x128xf32, #tpu.memory_space<hbm>>, %arg6: memref<125x128xf32, #tpu.memory_space<hbm>>, %arg7: memref<80x1x125xi32, #tpu.memory_space<hbm>>, %arg8: memref<2x80x125x128xf32, #tpu.memory_space<hbm>>, %arg9: memref<80xi32, #tpu.memory_space<vmem>>, %arg10: memref<80xi32, #tpu.memory_space<vmem>>, %arg11: memref<1x125xi32, #tpu.memory_space<vmem>>, %arg12: memref<125x128xf32, #tpu.memory_space<vmem>>, %arg13: memref<10000x128xf32, #tpu.memory_space<vmem_shared>>, %arg14: memref<!tpu.dma_semaphore, #tpu.memory_space<semaphore_mem>>) attributes {dimension_semantics = [#tpu.dimension_semantics<core_parallel>, #tpu.dimension_semantics<subcore_parallel>], iteration_bounds = array<i64: 2, 16>, scalar_prefetch = 0 : i64, scratch_operands = 6 : i64, tpu.core_type = #tpu.core_type<sc_vector_subcore>, window_params = [{transform_indices = #map}, {transform_indices = #map1}, {transform_indices = #map1}, {transform_indices = #map}, {transform_indices = #map}, {transform_indices = #map2}, {transform_indices = #map3}]} {
    %mul3A = arith.constant 16 : i32
    %mul3A_0 = arith.muli %arg0, %mul3A : i32
    %add3A = arith.addi %mul3A_0, %arg1 : i32
    %mul3A_1 = arith.constant 10000 : i32
    %mul3A_2 = arith.muli %add3A, %mul3A_1 : i32
    "tpu.region"() ({
      %run_scoped3A = tpu.sem_alloc : memref<!tpu.dma_semaphore, #tpu.memory_space<semaphore_mem>>
      tpu.enqueue_dma source(%arg5 : memref<125x128xf32, #tpu.memory_space<hbm>>) target(%arg12 : memref<125x128xf32, #tpu.memory_space<vmem>>) target_semaphore(%run_scoped3A : memref<!tpu.dma_semaphore, #tpu.memory_space<semaphore_mem>>)
      tpu.wait_dma2 semaphore(%run_scoped3A : memref<!tpu.dma_semaphore, #tpu.memory_space<semaphore_mem>>) src(%arg5 : memref<125x128xf32, #tpu.memory_space<hbm>>) dst(%arg12 : memref<125x128xf32, #tpu.memory_space<vmem>>)
      tpu.yield
    }) : () -> ()
    %scan3A = arith.constant 0 : i32
    %scan3A_3 = arith.constant 0 : i32
    %scan3A_4 = arith.constant 5 : i32
    %scan3A_5 = arith.addi %scan3A_3, %scan3A_4 : i32
    %scan3A_6 = arith.constant 1 : i32
    scf.for %scan3A_21 = %scan3A_3 to %scan3A_5 step %scan3A_6  : i32 {
      %mul3A_22 = arith.constant 5 : i32
      %mul3A_23 = arith.muli %arg1, %mul3A_22 : i32
      %add3A_24 = arith.addi %mul3A_23, %scan3A_21 : i32
      "tpu.region"() ({
        %run_scoped3A_25 = tpu.sem_alloc : memref<!tpu.dma_semaphore, #tpu.memory_space<semaphore_mem>>
        %dma_start3A = arith.constant 0 : i32
        %dma_start3A_26 = arith.constant 0 : i32
        %dma_start3A_27 = tpu.memref_slice %arg7[%add3A_24, %dma_start3A, %dma_start3A_26] : memref<80x1x125xi32, #tpu.memory_space<hbm>> -> memref<1x1x125xi32, #tpu.memory_space<hbm>>
        %dma_start3A_28 = tpu.memref_squeeze %dma_start3A_27 : memref<1x1x125xi32, #tpu.memory_space<hbm>> -> memref<1x125xi32, #tpu.memory_space<hbm>>
        %dma_start3A_29 = arith.constant 0 : i32
        %dma_start3A_30 = arith.constant 0 : i32
        %dma_start3A_31 = tpu.memref_slice %arg7[%add3A_24, %dma_start3A_29, %dma_start3A_30] : memref<80x1x125xi32, #tpu.memory_space<hbm>> -> memref<1x1x125xi32, #tpu.memory_space<hbm>>
        %dma_start3A_32 = tpu.memref_squeeze %dma_start3A_31 : memref<1x1x125xi32, #tpu.memory_space<hbm>> -> memref<1x125xi32, #tpu.memory_space<hbm>>
        tpu.enqueue_dma source(%dma_start3A_32 : memref<1x125xi32, #tpu.memory_space<hbm>>) target(%arg11 : memref<1x125xi32, #tpu.memory_space<vmem>>) target_semaphore(%run_scoped3A_25 : memref<!tpu.dma_semaphore, #tpu.memory_space<semaphore_mem>>)
        %dma_wait3A = arith.constant 0 : i32
        %dma_wait3A_33 = arith.constant 0 : i32
        %dma_wait3A_34 = tpu.memref_slice %arg7[%add3A_24, %dma_wait3A, %dma_wait3A_33] : memref<80x1x125xi32, #tpu.memory_space<hbm>> -> memref<1x1x125xi32, #tpu.memory_space<hbm>>
        %dma_wait3A_35 = tpu.memref_squeeze %dma_wait3A_34 : memref<1x1x125xi32, #tpu.memory_space<hbm>> -> memref<1x125xi32, #tpu.memory_space<hbm>>
        %dma_wait3A_36 = arith.constant 0 : i32
        %dma_wait3A_37 = arith.constant 0 : i32
        %dma_wait3A_38 = tpu.memref_slice %arg7[%add3A_24, %dma_wait3A_36, %dma_wait3A_37] : memref<80x1x125xi32, #tpu.memory_space<hbm>> -> memref<1x1x125xi32, #tpu.memory_space<hbm>>
        %dma_wait3A_39 = tpu.memref_squeeze %dma_wait3A_38 : memref<1x1x125xi32, #tpu.memory_space<hbm>> -> memref<1x125xi32, #tpu.memory_space<hbm>>
        tpu.wait_dma2 semaphore(%run_scoped3A_25 : memref<!tpu.dma_semaphore, #tpu.memory_space<semaphore_mem>>) src(%dma_wait3A_39 : memref<1x125xi32, #tpu.memory_space<hbm>>) dst(%arg11 : memref<1x125xi32, #tpu.memory_space<vmem>>)
        tpu.yield
      }) : () -> ()
      %run_scoped3A = arith.constant 0 : i32
      "tpu.region"() ({
        %run_scoped3A_25 = tpu.sem_alloc : memref<!tpu.dma_semaphore, #tpu.memory_space<semaphore_mem>>
        %dma_start3A = arith.constant 0 : i32
        %dma_start3A_26 = tpu.memref_slice %arg11[%run_scoped3A, %dma_start3A] : memref<1x125xi32, #tpu.memory_space<vmem>> -> memref<1x125xi32, #tpu.memory_space<vmem>>
        %dma_start3A_27 = tpu.memref_squeeze %dma_start3A_26 : memref<1x125xi32, #tpu.memory_space<vmem>> -> memref<125xi32, #tpu.memory_space<vmem>>
        %dma_start3A_28 = arith.constant 0 : i32
        %dma_start3A_29 = arith.constant 0 : i32
        %dma_start3A_30 = tpu.memref_slice %arg13[%dma_start3A_28, %dma_start3A_29] : memref<10000x128xf32, #tpu.memory_space<vmem_shared>> -> memref<10000x128xf32, #tpu.memory_space<vmem_shared>>
        tpu.enqueue_indirect_dma source(%arg12 : memref<125x128xf32, #tpu.memory_space<vmem>>) target(%dma_start3A_30 : memref<10000x128xf32, #tpu.memory_space<vmem_shared>>) offsets(%dma_start3A_27 : memref<125xi32, #tpu.memory_space<vmem>>) semaphore(%run_scoped3A_25 : memref<!tpu.dma_semaphore, #tpu.memory_space<semaphore_mem>>)
        %dma_wait3A = arith.constant 0 : i32
        %dma_wait3A_31 = tpu.memref_slice %arg11[%run_scoped3A, %dma_wait3A] : memref<1x125xi32, #tpu.memory_space<vmem>> -> memref<1x125xi32, #tpu.memory_space<vmem>>
        %dma_wait3A_32 = tpu.memref_squeeze %dma_wait3A_31 : memref<1x125xi32, #tpu.memory_space<vmem>> -> memref<125xi32, #tpu.memory_space<vmem>>
        %dma_wait3A_33 = arith.constant 0 : i32
        %dma_wait3A_34 = arith.constant 0 : i32
        %dma_wait3A_35 = tpu.memref_slice %arg13[%dma_wait3A_33, %dma_wait3A_34] : memref<10000x128xf32, #tpu.memory_space<vmem_shared>> -> memref<10000x128xf32, #tpu.memory_space<vmem_shared>>
        tpu.wait_indirect_dma semaphore(%run_scoped3A_25 : memref<!tpu.dma_semaphore, #tpu.memory_space<semaphore_mem>>) src(%arg12 : memref<125x128xf32, #tpu.memory_space<vmem>>) dst(%dma_wait3A_35 : memref<10000x128xf32, #tpu.memory_space<vmem_shared>>)
        tpu.yield
      }) : () -> ()
    }
    %scan3A_7 = arith.constant 5 : i32
    %barrier3A = arith.constant 0 : index
    tpu.barrier barrier_id(%barrier3A)
    %scan3A_8 = arith.constant 0 : i32
    %scan3A_9 = arith.constant 0 : i32
    %scan3A_10 = arith.constant 125 : i32
    %scan3A_11 = arith.addi %scan3A_9, %scan3A_10 : i32
    %scan3A_12 = arith.constant 1 : i32
    scf.for %scan3A_21 = %scan3A_9 to %scan3A_11 step %scan3A_12  : i32 {
      %mul3A_22 = arith.constant 80 : i32
      %mul3A_23 = arith.muli %scan3A_21, %mul3A_22 : i32
      %add3A_24 = arith.addi %mul3A_2, %mul3A_23 : i32
      "tpu.region"() ({
        %run_scoped3A = tpu.sem_alloc : memref<!tpu.dma_semaphore, #tpu.memory_space<semaphore_mem>>
        %dma_start3A_35 = tpu.memref_slice %arg4[%add3A_24] : memref<320000xi32, #tpu.memory_space<hbm>> -> memref<80xi32, #tpu.memory_space<hbm>>
        %dma_start3A_36 = tpu.memref_slice %arg4[%add3A_24] : memref<320000xi32, #tpu.memory_space<hbm>> -> memref<80xi32, #tpu.memory_space<hbm>>
        tpu.enqueue_dma source(%dma_start3A_36 : memref<80xi32, #tpu.memory_space<hbm>>) target(%arg10 : memref<80xi32, #tpu.memory_space<vmem>>) target_semaphore(%run_scoped3A : memref<!tpu.dma_semaphore, #tpu.memory_space<semaphore_mem>>)
        %dma_wait3A_37 = tpu.memref_slice %arg4[%add3A_24] : memref<320000xi32, #tpu.memory_space<hbm>> -> memref<80xi32, #tpu.memory_space<hbm>>
        %dma_wait3A_38 = tpu.memref_slice %arg4[%add3A_24] : memref<320000xi32, #tpu.memory_space<hbm>> -> memref<80xi32, #tpu.memory_space<hbm>>
        tpu.wait_dma2 semaphore(%run_scoped3A : memref<!tpu.dma_semaphore, #tpu.memory_space<semaphore_mem>>) src(%dma_wait3A_38 : memref<80xi32, #tpu.memory_space<hbm>>) dst(%arg10 : memref<80xi32, #tpu.memory_space<vmem>>)
        tpu.yield
      }) : () -> ()
      "tpu.region"() ({
        %run_scoped3A = tpu.sem_alloc : memref<!tpu.dma_semaphore, #tpu.memory_space<semaphore_mem>>
        %dma_start3A_35 = tpu.memref_slice %arg3[%add3A_24] : memref<320000xi32, #tpu.memory_space<hbm>> -> memref<80xi32, #tpu.memory_space<hbm>>
        %dma_start3A_36 = tpu.memref_slice %arg3[%add3A_24] : memref<320000xi32, #tpu.memory_space<hbm>> -> memref<80xi32, #tpu.memory_space<hbm>>
        tpu.enqueue_dma source(%dma_start3A_36 : memref<80xi32, #tpu.memory_space<hbm>>) target(%arg9 : memref<80xi32, #tpu.memory_space<vmem>>) target_semaphore(%run_scoped3A : memref<!tpu.dma_semaphore, #tpu.memory_space<semaphore_mem>>)
        %dma_wait3A_37 = tpu.memref_slice %arg3[%add3A_24] : memref<320000xi32, #tpu.memory_space<hbm>> -> memref<80xi32, #tpu.memory_space<hbm>>
        %dma_wait3A_38 = tpu.memref_slice %arg3[%add3A_24] : memref<320000xi32, #tpu.memory_space<hbm>> -> memref<80xi32, #tpu.memory_space<hbm>>
        tpu.wait_dma2 semaphore(%run_scoped3A : memref<!tpu.dma_semaphore, #tpu.memory_space<semaphore_mem>>) src(%dma_wait3A_38 : memref<80xi32, #tpu.memory_space<hbm>>) dst(%arg9 : memref<80xi32, #tpu.memory_space<vmem>>)
        tpu.yield
      }) : () -> ()
      %dma_start3A = arith.constant 0 : i32
      %dma_start3A_25 = arith.constant 0 : i32
      %dma_start3A_26 = tpu.memref_slice %arg12[%dma_start3A, %dma_start3A_25] : memref<125x128xf32, #tpu.memory_space<vmem>> -> memref<80x128xf32, #tpu.memory_space<vmem>>
      %dma_start3A_27 = arith.constant 0 : i32
      %dma_start3A_28 = arith.constant 0 : i32
      %dma_start3A_29 = tpu.memref_slice %arg2[%dma_start3A_27, %dma_start3A_28] : memref<10000x128xf32, #tpu.memory_space<hbm>> -> memref<10000x128xf32, #tpu.memory_space<hbm>>
      tpu.enqueue_indirect_dma source(%dma_start3A_29 : memref<10000x128xf32, #tpu.memory_space<hbm>>) target(%dma_start3A_26 : memref<80x128xf32, #tpu.memory_space<vmem>>) offsets(%arg9 : memref<80xi32, #tpu.memory_space<vmem>>) semaphore(%arg14 : memref<!tpu.dma_semaphore, #tpu.memory_space<semaphore_mem>>)
      %dma_wait3A = arith.constant 0 : i32
      %dma_wait3A_30 = arith.constant 0 : i32
      %dma_wait3A_31 = tpu.memref_slice %arg12[%dma_wait3A, %dma_wait3A_30] : memref<125x128xf32, #tpu.memory_space<vmem>> -> memref<80x128xf32, #tpu.memory_space<vmem>>
      %dma_wait3A_32 = arith.constant 0 : i32
      %dma_wait3A_33 = arith.constant 0 : i32
      %dma_wait3A_34 = tpu.memref_slice %arg2[%dma_wait3A_32, %dma_wait3A_33] : memref<10000x128xf32, #tpu.memory_space<hbm>> -> memref<10000x128xf32, #tpu.memory_space<hbm>>
      tpu.wait_indirect_dma semaphore(%arg14 : memref<!tpu.dma_semaphore, #tpu.memory_space<semaphore_mem>>) src(%dma_wait3A_34 : memref<10000x128xf32, #tpu.memory_space<hbm>>) dst(%dma_wait3A_31 : memref<80x128xf32, #tpu.memory_space<vmem>>)
      "tpu.region"() ({
        %run_scoped3A = tpu.sem_alloc : memref<!tpu.dma_semaphore, #tpu.memory_space<semaphore_mem>>
        %dma_start3A_35 = arith.constant 0 : i32
        %dma_start3A_36 = arith.constant 0 : i32
        %dma_start3A_37 = tpu.memref_slice %arg12[%dma_start3A_35, %dma_start3A_36] : memref<125x128xf32, #tpu.memory_space<vmem>> -> memref<80x128xf32, #tpu.memory_space<vmem>>
        %dma_start3A_38 = arith.constant 0 : i32
        %dma_start3A_39 = arith.constant 0 : i32
        %dma_start3A_40 = tpu.memref_slice %arg13[%dma_start3A_38, %dma_start3A_39] : memref<10000x128xf32, #tpu.memory_space<vmem_shared>> -> memref<10000x128xf32, #tpu.memory_space<vmem_shared>>
        tpu.enqueue_indirect_dma source(%dma_start3A_37 : memref<80x128xf32, #tpu.memory_space<vmem>>) target(%dma_start3A_40 : memref<10000x128xf32, #tpu.memory_space<vmem_shared>>) offsets(%arg10 : memref<80xi32, #tpu.memory_space<vmem>>) semaphore(%run_scoped3A : memref<!tpu.dma_semaphore, #tpu.memory_space<semaphore_mem>>) {add = true}
        %dma_wait3A_41 = arith.constant 0 : i32
        %dma_wait3A_42 = arith.constant 0 : i32
        %dma_wait3A_43 = tpu.memref_slice %arg12[%dma_wait3A_41, %dma_wait3A_42] : memref<125x128xf32, #tpu.memory_space<vmem>> -> memref<80x128xf32, #tpu.memory_space<vmem>>
        %dma_wait3A_44 = arith.constant 0 : i32
        %dma_wait3A_45 = arith.constant 0 : i32
        %dma_wait3A_46 = tpu.memref_slice %arg13[%dma_wait3A_44, %dma_wait3A_45] : memref<10000x128xf32, #tpu.memory_space<vmem_shared>> -> memref<10000x128xf32, #tpu.memory_space<vmem_shared>>
        tpu.wait_indirect_dma semaphore(%run_scoped3A : memref<!tpu.dma_semaphore, #tpu.memory_space<semaphore_mem>>) src(%dma_wait3A_43 : memref<80x128xf32, #tpu.memory_space<vmem>>) dst(%dma_wait3A_46 : memref<10000x128xf32, #tpu.memory_space<vmem_shared>>)
        tpu.yield
      }) : () -> ()
    }
    %scan3A_13 = arith.constant 125 : i32
    %barrier3A_14 = arith.constant 0 : index
    tpu.barrier barrier_id(%barrier3A_14)
    %scan3A_15 = arith.constant 0 : i32
    %scan3A_16 = arith.constant 0 : i32
    %scan3A_17 = arith.constant 5 : i32
    %scan3A_18 = arith.addi %scan3A_16, %scan3A_17 : i32
    %scan3A_19 = arith.constant 1 : i32
    scf.for %scan3A_21 = %scan3A_16 to %scan3A_18 step %scan3A_19  : i32 {
      %mul3A_22 = arith.constant 5 : i32
      %mul3A_23 = arith.muli %arg1, %mul3A_22 : i32
      %add3A_24 = arith.addi %mul3A_23, %scan3A_21 : i32
      "tpu.region"() ({
        %run_scoped3A = tpu.sem_alloc : memref<!tpu.dma_semaphore, #tpu.memory_space<semaphore_mem>>
        %dma_start3A_37 = arith.constant 0 : i32
        %dma_start3A_38 = arith.constant 0 : i32
        %dma_start3A_39 = tpu.memref_slice %arg7[%add3A_24, %dma_start3A_37, %dma_start3A_38] : memref<80x1x125xi32, #tpu.memory_space<hbm>> -> memref<1x1x125xi32, #tpu.memory_space<hbm>>
        %dma_start3A_40 = tpu.memref_squeeze %dma_start3A_39 : memref<1x1x125xi32, #tpu.memory_space<hbm>> -> memref<1x125xi32, #tpu.memory_space<hbm>>
        %dma_start3A_41 = arith.constant 0 : i32
        %dma_start3A_42 = arith.constant 0 : i32
        %dma_start3A_43 = tpu.memref_slice %arg7[%add3A_24, %dma_start3A_41, %dma_start3A_42] : memref<80x1x125xi32, #tpu.memory_space<hbm>> -> memref<1x1x125xi32, #tpu.memory_space<hbm>>
        %dma_start3A_44 = tpu.memref_squeeze %dma_start3A_43 : memref<1x1x125xi32, #tpu.memory_space<hbm>> -> memref<1x125xi32, #tpu.memory_space<hbm>>
        tpu.enqueue_dma source(%dma_start3A_44 : memref<1x125xi32, #tpu.memory_space<hbm>>) target(%arg11 : memref<1x125xi32, #tpu.memory_space<vmem>>) target_semaphore(%run_scoped3A : memref<!tpu.dma_semaphore, #tpu.memory_space<semaphore_mem>>)
        %dma_wait3A_45 = arith.constant 0 : i32
        %dma_wait3A_46 = arith.constant 0 : i32
        %dma_wait3A_47 = tpu.memref_slice %arg7[%add3A_24, %dma_wait3A_45, %dma_wait3A_46] : memref<80x1x125xi32, #tpu.memory_space<hbm>> -> memref<1x1x125xi32, #tpu.memory_space<hbm>>
        %dma_wait3A_48 = tpu.memref_squeeze %dma_wait3A_47 : memref<1x1x125xi32, #tpu.memory_space<hbm>> -> memref<1x125xi32, #tpu.memory_space<hbm>>
        %dma_wait3A_49 = arith.constant 0 : i32
        %dma_wait3A_50 = arith.constant 0 : i32
        %dma_wait3A_51 = tpu.memref_slice %arg7[%add3A_24, %dma_wait3A_49, %dma_wait3A_50] : memref<80x1x125xi32, #tpu.memory_space<hbm>> -> memref<1x1x125xi32, #tpu.memory_space<hbm>>
        %dma_wait3A_52 = tpu.memref_squeeze %dma_wait3A_51 : memref<1x1x125xi32, #tpu.memory_space<hbm>> -> memref<1x125xi32, #tpu.memory_space<hbm>>
        tpu.wait_dma2 semaphore(%run_scoped3A : memref<!tpu.dma_semaphore, #tpu.memory_space<semaphore_mem>>) src(%dma_wait3A_52 : memref<1x125xi32, #tpu.memory_space<hbm>>) dst(%arg11 : memref<1x125xi32, #tpu.memory_space<vmem>>)
        tpu.yield
      }) : () -> ()
      %dma_start3A = arith.constant 0 : i32
      %dma_start3A_25 = arith.constant 0 : i32
      %dma_start3A_26 = tpu.memref_slice %arg11[%dma_start3A, %dma_start3A_25] : memref<1x125xi32, #tpu.memory_space<vmem>> -> memref<1x125xi32, #tpu.memory_space<vmem>>
      %dma_start3A_27 = tpu.memref_squeeze %dma_start3A_26 : memref<1x125xi32, #tpu.memory_space<vmem>> -> memref<125xi32, #tpu.memory_space<vmem>>
      %dma_start3A_28 = arith.constant 0 : i32
      %dma_start3A_29 = arith.constant 0 : i32
      %dma_start3A_30 = tpu.memref_slice %arg13[%dma_start3A_28, %dma_start3A_29] : memref<10000x128xf32, #tpu.memory_space<vmem_shared>> -> memref<10000x128xf32, #tpu.memory_space<vmem_shared>>
      tpu.enqueue_indirect_dma source(%dma_start3A_30 : memref<10000x128xf32, #tpu.memory_space<vmem_shared>>) target(%arg12 : memref<125x128xf32, #tpu.memory_space<vmem>>) offsets(%dma_start3A_27 : memref<125xi32, #tpu.memory_space<vmem>>) semaphore(%arg14 : memref<!tpu.dma_semaphore, #tpu.memory_space<semaphore_mem>>)
      %dma_wait3A = arith.constant 0 : i32
      %dma_wait3A_31 = arith.constant 0 : i32
      %dma_wait3A_32 = tpu.memref_slice %arg11[%dma_wait3A, %dma_wait3A_31] : memref<1x125xi32, #tpu.memory_space<vmem>> -> memref<1x125xi32, #tpu.memory_space<vmem>>
      %dma_wait3A_33 = tpu.memref_squeeze %dma_wait3A_32 : memref<1x125xi32, #tpu.memory_space<vmem>> -> memref<125xi32, #tpu.memory_space<vmem>>
      %dma_wait3A_34 = arith.constant 0 : i32
      %dma_wait3A_35 = arith.constant 0 : i32
      %dma_wait3A_36 = tpu.memref_slice %arg13[%dma_wait3A_34, %dma_wait3A_35] : memref<10000x128xf32, #tpu.memory_space<vmem_shared>> -> memref<10000x128xf32, #tpu.memory_space<vmem_shared>>
      tpu.wait_indirect_dma semaphore(%arg14 : memref<!tpu.dma_semaphore, #tpu.memory_space<semaphore_mem>>) src(%dma_wait3A_36 : memref<10000x128xf32, #tpu.memory_space<vmem_shared>>) dst(%arg12 : memref<125x128xf32, #tpu.memory_space<vmem>>)
      "tpu.region"() ({
        %run_scoped3A = tpu.sem_alloc : memref<!tpu.dma_semaphore, #tpu.memory_space<semaphore_mem>>
        %dma_start3A_37 = arith.constant 0 : i32
        %dma_start3A_38 = arith.constant 0 : i32
        %dma_start3A_39 = tpu.memref_slice %arg8[%arg0, %add3A_24, %dma_start3A_37, %dma_start3A_38] : memref<2x80x125x128xf32, #tpu.memory_space<hbm>> -> memref<1x1x125x128xf32, #tpu.memory_space<hbm>>
        %dma_start3A_40 = tpu.memref_squeeze %dma_start3A_39 : memref<1x1x125x128xf32, #tpu.memory_space<hbm>> -> memref<125x128xf32, #tpu.memory_space<hbm>>
        %dma_start3A_41 = arith.constant 0 : i32
        %dma_start3A_42 = arith.constant 0 : i32
        %dma_start3A_43 = tpu.memref_slice %arg8[%arg0, %add3A_24, %dma_start3A_41, %dma_start3A_42] : memref<2x80x125x128xf32, #tpu.memory_space<hbm>> -> memref<1x1x125x128xf32, #tpu.memory_space<hbm>>
        %dma_start3A_44 = tpu.memref_squeeze %dma_start3A_43 : memref<1x1x125x128xf32, #tpu.memory_space<hbm>> -> memref<125x128xf32, #tpu.memory_space<hbm>>
        tpu.enqueue_dma source(%arg12 : memref<125x128xf32, #tpu.memory_space<vmem>>) target(%dma_start3A_44 : memref<125x128xf32, #tpu.memory_space<hbm>>) target_semaphore(%run_scoped3A : memref<!tpu.dma_semaphore, #tpu.memory_space<semaphore_mem>>)
        %dma_wait3A_45 = arith.constant 0 : i32
        %dma_wait3A_46 = arith.constant 0 : i32
        %dma_wait3A_47 = tpu.memref_slice %arg8[%arg0, %add3A_24, %dma_wait3A_45, %dma_wait3A_46] : memref<2x80x125x128xf32, #tpu.memory_space<hbm>> -> memref<1x1x125x128xf32, #tpu.memory_space<hbm>>
        %dma_wait3A_48 = tpu.memref_squeeze %dma_wait3A_47 : memref<1x1x125x128xf32, #tpu.memory_space<hbm>> -> memref<125x128xf32, #tpu.memory_space<hbm>>
        %dma_wait3A_49 = arith.constant 0 : i32
        %dma_wait3A_50 = arith.constant 0 : i32
        %dma_wait3A_51 = tpu.memref_slice %arg8[%arg0, %add3A_24, %dma_wait3A_49, %dma_wait3A_50] : memref<2x80x125x128xf32, #tpu.memory_space<hbm>> -> memref<1x1x125x128xf32, #tpu.memory_space<hbm>>
        %dma_wait3A_52 = tpu.memref_squeeze %dma_wait3A_51 : memref<1x1x125x128xf32, #tpu.memory_space<hbm>> -> memref<125x128xf32, #tpu.memory_space<hbm>>
        tpu.wait_dma2 semaphore(%run_scoped3A : memref<!tpu.dma_semaphore, #tpu.memory_space<semaphore_mem>>) src(%arg12 : memref<125x128xf32, #tpu.memory_space<vmem>>) dst(%dma_wait3A_52 : memref<125x128xf32, #tpu.memory_space<hbm>>)
        tpu.yield
      }) : () -> ()
    }
    %scan3A_20 = arith.constant 5 : i32
    return
  }
}

module attributes {stable_mosaic.version = 14 : i64} {
  func.func @_proj_body(%arg0: i32, %arg1: memref<2000x128xf32, #tpu.memory_space<vmem>>, %arg2: memref<128x128xf32, #tpu.memory_space<vmem>>, %arg3: memref<128x128xf32, #tpu.memory_space<vmem>>, %arg4: memref<1x128xf32, #tpu.memory_space<vmem>>, %arg5: memref<2000x128xf32, #tpu.memory_space<vmem>>, %arg6: memref<2000x128xf32, #tpu.memory_space<vmem>>) attributes {dimension_semantics = [#tpu.dimension_semantics<arbitrary>], iteration_bounds = array<i64: 5>, scalar_prefetch = 0 : i64, scratch_operands = 0 : i64, tpu.core_type = #tpu.core_type<tc>, window_params = [{transform_indices = @transform_0, window_bounds = array<i64: 2000, 128>}, {pipeline_mode = #tpu.pipeline_mode<synchronous>, transform_indices = @transform_1, window_bounds = array<i64: 128, 128>}, {pipeline_mode = #tpu.pipeline_mode<synchronous>, transform_indices = @transform_2, window_bounds = array<i64: 128, 128>}, {pipeline_mode = #tpu.pipeline_mode<synchronous>, transform_indices = @transform_3, window_bounds = array<i64: 1, 128>}, {transform_indices = @transform_4, window_bounds = array<i64: 2000, 128>}, {transform_indices = @transform_5, window_bounds = array<i64: 2000, 128>}]} {
    %get3A = arith.constant 0 : index
    %get3A_0 = arith.constant 0 : index
    %get3A_1 = vector.load %arg1[%get3A, %get3A_0] : memref<2000x128xf32, #tpu.memory_space<vmem>>, vector<2000x128xf32>
    %get3A_2 = arith.constant 0 : index
    %get3A_3 = arith.constant 0 : index
    %get3A_4 = vector.load %arg2[%get3A_2, %get3A_3] : memref<128x128xf32, #tpu.memory_space<vmem>>, vector<128x128xf32>
    %dot_general3A = arith.constant dense<0.000000e+00> : vector<2000x128xf32>
    %dot_general3A_5 = tpu.matmul %get3A_1, %get3A_4, %dot_general3A {dimension_numbers = #tpu.dot_dimension_numbers<[1], [0], [0], [1], [0, 0, 1, 1], [], []>, transpose_lhs_hint = false} : vector<2000x128xf32>, vector<128x128xf32>, vector<2000x128xf32> -> vector<2000x128xf32>
    %swap3A = arith.constant 0 : index
    %swap3A_6 = arith.constant 0 : index
    %swap3A_7 = vector.load %arg5[%swap3A, %swap3A_6] : memref<2000x128xf32, #tpu.memory_space<vmem>>, vector<2000x128xf32>
    tpu.vector_store %arg5[%swap3A, %swap3A_6], %dot_general3A_5 {strides = array<i32>} : memref<2000x128xf32, #tpu.memory_space<vmem>>, vector<2000x128xf32>,
    %get3A_8 = arith.constant 0 : index
    %get3A_9 = arith.constant 0 : index
    %get3A_10 = vector.load %arg3[%get3A_8, %get3A_9] : memref<128x128xf32, #tpu.memory_space<vmem>>, vector<128x128xf32>
    %dot_general3A_11 = arith.constant dense<0.000000e+00> : vector<2000x128xf32>
    %dot_general3A_12 = tpu.matmul %get3A_1, %get3A_10, %dot_general3A_11 {dimension_numbers = #tpu.dot_dimension_numbers<[1], [0], [0], [1], [0, 0, 1, 1], [], []>, transpose_lhs_hint = false} : vector<2000x128xf32>, vector<128x128xf32>, vector<2000x128xf32> -> vector<2000x128xf32>
    %get3A_13 = arith.constant 0 : index
    %get3A_14 = arith.constant 0 : index
    %get3A_15 = vector.load %arg4[%get3A_13, %get3A_14] : memref<1x128xf32, #tpu.memory_space<vmem>>, vector<1x128xf32>
    %add3A = vector.broadcast %get3A_15 : vector<1x128xf32> to vector<2000x128xf32>
    %add3A_16 = arith.addf %dot_general3A_12, %add3A : vector<2000x128xf32>
    %swap3A_17 = arith.constant 0 : index
    %swap3A_18 = arith.constant 0 : index
    %swap3A_19 = vector.load %arg6[%swap3A_17, %swap3A_18] : memref<2000x128xf32, #tpu.memory_space<vmem>>, vector<2000x128xf32>
    tpu.vector_store %arg6[%swap3A_17, %swap3A_18], %add3A_16 {strides = array<i32>} : memref<2000x128xf32, #tpu.memory_space<vmem>>, vector<2000x128xf32>,
    return
  }
  func.func @transform_0(%arg0: i32) -> (i32, i32) {
    %c0_i32 = arith.constant 0 : i32
    %c0_i32_0 = arith.constant 0 : i32
    return %arg0, %c0_i32 : i32, i32
  }
  func.func @transform_1(%arg0: i32) -> (i32, i32) {
    %c0_i32 = arith.constant 0 : i32
    %c0_i32_0 = arith.constant 0 : i32
    %c0_i32_1 = arith.constant 0 : i32
    return %c0_i32, %c0_i32_0 : i32, i32
  }
  func.func @transform_2(%arg0: i32) -> (i32, i32) {
    %c0_i32 = arith.constant 0 : i32
    %c0_i32_0 = arith.constant 0 : i32
    %c0_i32_1 = arith.constant 0 : i32
    return %c0_i32, %c0_i32_0 : i32, i32
  }
  func.func @transform_3(%arg0: i32) -> (i32, i32) {
    %c0_i32 = arith.constant 0 : i32
    %c0_i32_0 = arith.constant 0 : i32
    %c0_i32_1 = arith.constant 0 : i32
    return %c0_i32, %c0_i32_0 : i32, i32
  }
  func.func @transform_4(%arg0: i32) -> (i32, i32) {
    %c0_i32 = arith.constant 0 : i32
    %c0_i32_0 = arith.constant 0 : i32
    return %arg0, %c0_i32 : i32, i32
  }
  func.func @transform_5(%arg0: i32) -> (i32, i32) {
    %c0_i32 = arith.constant 0 : i32
    %c0_i32_0 = arith.constant 0 : i32
    return %arg0, %c0_i32 : i32, i32
  }
}

module attributes {stable_mosaic.version = 14 : i64} {
  func.func @_mid_body(%arg0: i32, %arg1: memref<2x2000x128xf32, #tpu.memory_space<vmem>>, %arg2: memref<2x2000x128xf32, #tpu.memory_space<vmem>>, %arg3: memref<2000x128xf32, #tpu.memory_space<vmem>>, %arg4: memref<128x128xf32, #tpu.memory_space<vmem>>, %arg5: memref<128x128xf32, #tpu.memory_space<vmem>>, %arg6: memref<1x128xf32, #tpu.memory_space<vmem>>, %arg7: memref<2000x128xf32, #tpu.memory_space<vmem>>, %arg8: memref<2000x128xf32, #tpu.memory_space<vmem>>) attributes {dimension_semantics = [#tpu.dimension_semantics<arbitrary>], iteration_bounds = array<i64: 5>, scalar_prefetch = 0 : i64, scratch_operands = 0 : i64, tpu.core_type = #tpu.core_type<tc>, window_params = [{transform_indices = @transform_0, window_bounds = array<i64: 2, 2000, 128>}, {transform_indices = @transform_1, window_bounds = array<i64: 2, 2000, 128>}, {transform_indices = @transform_2, window_bounds = array<i64: 2000, 128>}, {pipeline_mode = #tpu.pipeline_mode<synchronous>, transform_indices = @transform_3, window_bounds = array<i64: 128, 128>}, {pipeline_mode = #tpu.pipeline_mode<synchronous>, transform_indices = @transform_4, window_bounds = array<i64: 128, 128>}, {pipeline_mode = #tpu.pipeline_mode<synchronous>, transform_indices = @transform_5, window_bounds = array<i64: 1, 128>}, {transform_indices = @transform_6, window_bounds = array<i64: 2000, 128>}, {transform_indices = @transform_7, window_bounds = array<i64: 2000, 128>}]} {
    %get3A = arith.constant 0 : index
    %get3A_0 = arith.constant 0 : index
    %get3A_1 = arith.constant 0 : index
    %get3A_2 = vector.load %arg2[%get3A, %get3A_0, %get3A_1] : memref<2x2000x128xf32, #tpu.memory_space<vmem>>, vector<1x2000x1xf32>
    %get3A_3 = vector.shape_cast %get3A_2 : vector<1x2000x1xf32> to vector<2000x1xf32>
    %get3A_4 = arith.constant 1 : index
    %get3A_5 = arith.constant 0 : index
    %get3A_6 = arith.constant 0 : index
    %get3A_7 = vector.load %arg2[%get3A_4, %get3A_5, %get3A_6] : memref<2x2000x128xf32, #tpu.memory_space<vmem>>, vector<1x2000x1xf32>
    %get3A_8 = vector.shape_cast %get3A_7 : vector<1x2000x1xf32> to vector<2000x1xf32>
    %add3A = arith.addf %get3A_3, %get3A_8 : vector<2000x1xf32>
    %max3A = arith.constant 1.000000e+00 : f32
    %max3A_9 = vector.broadcast %max3A : f32 to vector<2000x1xf32>
    %max3A_10 = arith.maximumf %add3A, %max3A_9 : vector<2000x1xf32>
    %get3A_11 = arith.constant 0 : index
    %get3A_12 = arith.constant 0 : index
    %get3A_13 = arith.constant 0 : index
    %get3A_14 = vector.load %arg1[%get3A_11, %get3A_12, %get3A_13] : memref<2x2000x128xf32, #tpu.memory_space<vmem>>, vector<1x2000x128xf32>
    %get3A_15 = vector.shape_cast %get3A_14 : vector<1x2000x128xf32> to vector<2000x128xf32>
    %get3A_16 = arith.constant 1 : index
    %get3A_17 = arith.constant 0 : index
    %get3A_18 = arith.constant 0 : index
    %get3A_19 = vector.load %arg1[%get3A_16, %get3A_17, %get3A_18] : memref<2x2000x128xf32, #tpu.memory_space<vmem>>, vector<1x2000x128xf32>
    %get3A_20 = vector.shape_cast %get3A_19 : vector<1x2000x128xf32> to vector<2000x128xf32>
    %add3A_21 = arith.addf %get3A_15, %get3A_20 : vector<2000x128xf32>
    %div3A = vector.broadcast %max3A_10 : vector<2000x1xf32> to vector<2000x128xf32>
    %div3A_22 = arith.divf %add3A_21, %div3A : vector<2000x128xf32>
    %get3A_23 = arith.constant 0 : index
    %get3A_24 = arith.constant 0 : index
    %get3A_25 = vector.load %arg3[%get3A_23, %get3A_24] : memref<2000x128xf32, #tpu.memory_space<vmem>>, vector<2000x128xf32>
    %add3A_26 = arith.addf %div3A_22, %get3A_25 : vector<2000x128xf32>
    %max3A_27 = arith.constant 0.000000e+00 : f32
    %max3A_28 = vector.broadcast %max3A_27 : f32 to vector<2000x128xf32>
    %max3A_29 = arith.maximumf %add3A_26, %max3A_28 : vector<2000x128xf32>
    %get3A_30 = arith.constant 0 : index
    %get3A_31 = arith.constant 0 : index
    %get3A_32 = vector.load %arg4[%get3A_30, %get3A_31] : memref<128x128xf32, #tpu.memory_space<vmem>>, vector<128x128xf32>
    %dot_general3A = arith.constant dense<0.000000e+00> : vector<2000x128xf32>
    %dot_general3A_33 = tpu.matmul %max3A_29, %get3A_32, %dot_general3A {dimension_numbers = #tpu.dot_dimension_numbers<[1], [0], [0], [1], [0, 0, 1, 1], [], []>, transpose_lhs_hint = false} : vector<2000x128xf32>, vector<128x128xf32>, vector<2000x128xf32> -> vector<2000x128xf32>
    %swap3A = arith.constant 0 : index
    %swap3A_34 = arith.constant 0 : index
    %swap3A_35 = vector.load %arg7[%swap3A, %swap3A_34] : memref<2000x128xf32, #tpu.memory_space<vmem>>, vector<2000x128xf32>
    tpu.vector_store %arg7[%swap3A, %swap3A_34], %dot_general3A_33 {strides = array<i32>} : memref<2000x128xf32, #tpu.memory_space<vmem>>, vector<2000x128xf32>,
    %get3A_36 = arith.constant 0 : index
    %get3A_37 = arith.constant 0 : index
    %get3A_38 = vector.load %arg5[%get3A_36, %get3A_37] : memref<128x128xf32, #tpu.memory_space<vmem>>, vector<128x128xf32>
    %dot_general3A_39 = arith.constant dense<0.000000e+00> : vector<2000x128xf32>
    %dot_general3A_40 = tpu.matmul %max3A_29, %get3A_38, %dot_general3A_39 {dimension_numbers = #tpu.dot_dimension_numbers<[1], [0], [0], [1], [0, 0, 1, 1], [], []>, transpose_lhs_hint = false} : vector<2000x128xf32>, vector<128x128xf32>, vector<2000x128xf32> -> vector<2000x128xf32>
    %get3A_41 = arith.constant 0 : index
    %get3A_42 = arith.constant 0 : index
    %get3A_43 = vector.load %arg6[%get3A_41, %get3A_42] : memref<1x128xf32, #tpu.memory_space<vmem>>, vector<1x128xf32>
    %add3A_44 = vector.broadcast %get3A_43 : vector<1x128xf32> to vector<2000x128xf32>
    %add3A_45 = arith.addf %dot_general3A_40, %add3A_44 : vector<2000x128xf32>
    %swap3A_46 = arith.constant 0 : index
    %swap3A_47 = arith.constant 0 : index
    %swap3A_48 = vector.load %arg8[%swap3A_46, %swap3A_47] : memref<2000x128xf32, #tpu.memory_space<vmem>>, vector<2000x128xf32>
    tpu.vector_store %arg8[%swap3A_46, %swap3A_47], %add3A_45 {strides = array<i32>} : memref<2000x128xf32, #tpu.memory_space<vmem>>, vector<2000x128xf32>,
    return
  }
  func.func @transform_0(%arg0: i32) -> (i32, i32, i32) {
    %c0_i32 = arith.constant 0 : i32
    %c0_i32_0 = arith.constant 0 : i32
    %c0_i32_1 = arith.constant 0 : i32
    return %c0_i32, %arg0, %c0_i32_0 : i32, i32, i32
  }
  func.func @transform_1(%arg0: i32) -> (i32, i32, i32) {
    %c0_i32 = arith.constant 0 : i32
    %c0_i32_0 = arith.constant 0 : i32
    %c0_i32_1 = arith.constant 0 : i32
    return %c0_i32, %arg0, %c0_i32_0 : i32, i32, i32
  }
  func.func @transform_2(%arg0: i32) -> (i32, i32) {
    %c0_i32 = arith.constant 0 : i32
    %c0_i32_0 = arith.constant 0 : i32
    return %arg0, %c0_i32 : i32, i32
  }
  func.func @transform_3(%arg0: i32) -> (i32, i32) {
    %c0_i32 = arith.constant 0 : i32
    %c0_i32_0 = arith.constant 0 : i32
    %c0_i32_1 = arith.constant 0 : i32
    return %c0_i32, %c0_i32_0 : i32, i32
  }
  func.func @transform_4(%arg0: i32) -> (i32, i32) {
    %c0_i32 = arith.constant 0 : i32
    %c0_i32_0 = arith.constant 0 : i32
    %c0_i32_1 = arith.constant 0 : i32
    return %c0_i32, %c0_i32_0 : i32, i32
  }
  func.func @transform_5(%arg0: i32) -> (i32, i32) {
    %c0_i32 = arith.constant 0 : i32
    %c0_i32_0 = arith.constant 0 : i32
    %c0_i32_1 = arith.constant 0 : i32
    return %c0_i32, %c0_i32_0 : i32, i32
  }
  func.func @transform_6(%arg0: i32) -> (i32, i32) {
    %c0_i32 = arith.constant 0 : i32
    %c0_i32_0 = arith.constant 0 : i32
    return %arg0, %c0_i32 : i32, i32
  }
  func.func @transform_7(%arg0: i32) -> (i32, i32) {
    %c0_i32 = arith.constant 0 : i32
    %c0_i32_0 = arith.constant 0 : i32
    return %arg0, %c0_i32 : i32, i32
  }
}

module attributes {stable_mosaic.version = 14 : i64} {
  func.func @_final_body(%arg0: i32, %arg1: memref<2x2000x128xf32, #tpu.memory_space<vmem>>, %arg2: memref<2x2000x128xf32, #tpu.memory_space<vmem>>, %arg3: memref<2000x128xf32, #tpu.memory_space<vmem>>, %arg4: memref<2000x128xf32, #tpu.memory_space<vmem>>) attributes {dimension_semantics = [#tpu.dimension_semantics<arbitrary>], iteration_bounds = array<i64: 5>, scalar_prefetch = 0 : i64, scratch_operands = 0 : i64, tpu.core_type = #tpu.core_type<tc>, window_params = [{transform_indices = @transform_0, window_bounds = array<i64: 2, 2000, 128>}, {transform_indices = @transform_1, window_bounds = array<i64: 2, 2000, 128>}, {transform_indices = @transform_2, window_bounds = array<i64: 2000, 128>}, {transform_indices = @transform_3, window_bounds = array<i64: 2000, 128>}]} {
    %get3A = arith.constant 0 : index
    %get3A_0 = arith.constant 0 : index
    %get3A_1 = arith.constant 0 : index
    %get3A_2 = vector.load %arg2[%get3A, %get3A_0, %get3A_1] : memref<2x2000x128xf32, #tpu.memory_space<vmem>>, vector<1x2000x1xf32>
    %get3A_3 = vector.shape_cast %get3A_2 : vector<1x2000x1xf32> to vector<2000x1xf32>
    %get3A_4 = arith.constant 1 : index
    %get3A_5 = arith.constant 0 : index
    %get3A_6 = arith.constant 0 : index
    %get3A_7 = vector.load %arg2[%get3A_4, %get3A_5, %get3A_6] : memref<2x2000x128xf32, #tpu.memory_space<vmem>>, vector<1x2000x1xf32>
    %get3A_8 = vector.shape_cast %get3A_7 : vector<1x2000x1xf32> to vector<2000x1xf32>
    %add3A = arith.addf %get3A_3, %get3A_8 : vector<2000x1xf32>
    %max3A = arith.constant 1.000000e+00 : f32
    %max3A_9 = vector.broadcast %max3A : f32 to vector<2000x1xf32>
    %max3A_10 = arith.maximumf %add3A, %max3A_9 : vector<2000x1xf32>
    %get3A_11 = arith.constant 0 : index
    %get3A_12 = arith.constant 0 : index
    %get3A_13 = arith.constant 0 : index
    %get3A_14 = vector.load %arg1[%get3A_11, %get3A_12, %get3A_13] : memref<2x2000x128xf32, #tpu.memory_space<vmem>>, vector<1x2000x128xf32>
    %get3A_15 = vector.shape_cast %get3A_14 : vector<1x2000x128xf32> to vector<2000x128xf32>
    %get3A_16 = arith.constant 1 : index
    %get3A_17 = arith.constant 0 : index
    %get3A_18 = arith.constant 0 : index
    %get3A_19 = vector.load %arg1[%get3A_16, %get3A_17, %get3A_18] : memref<2x2000x128xf32, #tpu.memory_space<vmem>>, vector<1x2000x128xf32>
    %get3A_20 = vector.shape_cast %get3A_19 : vector<1x2000x128xf32> to vector<2000x128xf32>
    %add3A_21 = arith.addf %get3A_15, %get3A_20 : vector<2000x128xf32>
    %div3A = vector.broadcast %max3A_10 : vector<2000x1xf32> to vector<2000x128xf32>
    %div3A_22 = arith.divf %add3A_21, %div3A : vector<2000x128xf32>
    %get3A_23 = arith.constant 0 : index
    %get3A_24 = arith.constant 0 : index
    %get3A_25 = vector.load %arg3[%get3A_23, %get3A_24] : memref<2000x128xf32, #tpu.memory_space<vmem>>, vector<2000x128xf32>
    %add3A_26 = arith.addf %div3A_22, %get3A_25 : vector<2000x128xf32>
    %swap3A = arith.constant 0 : index
    %swap3A_27 = arith.constant 0 : index
    %swap3A_28 = vector.load %arg4[%swap3A, %swap3A_27] : memref<2000x128xf32, #tpu.memory_space<vmem>>, vector<2000x128xf32>
    tpu.vector_store %arg4[%swap3A, %swap3A_27], %add3A_26 {strides = array<i32>} : memref<2000x128xf32, #tpu.memory_space<vmem>>, vector<2000x128xf32>,
    return
  }
  func.func @transform_0(%arg0: i32) -> (i32, i32, i32) {
    %c0_i32 = arith.constant 0 : i32
    %c0_i32_0 = arith.constant 0 : i32
    %c0_i32_1 = arith.constant 0 : i32
    return %c0_i32, %arg0, %c0_i32_0 : i32, i32, i32
  }
  func.func @transform_1(%arg0: i32) -> (i32, i32, i32) {
    %c0_i32 = arith.constant 0 : i32
    %c0_i32_0 = arith.constant 0 : i32
    %c0_i32_1 = arith.constant 0 : i32
    return %c0_i32, %arg0, %c0_i32_0 : i32, i32, i32
  }
  func.func @transform_2(%arg0: i32) -> (i32, i32) {
    %c0_i32 = arith.constant 0 : i32
    %c0_i32_0 = arith.constant 0 : i32
    return %arg0, %c0_i32 : i32, i32
  }
  func.func @transform_3(%arg0: i32) -> (i32, i32) {
    %c0_i32 = arith.constant 0 : i32
    %c0_i32_0 = arith.constant 0 : i32
    return %arg0, %c0_i32 : i32, i32
  }
}

</mosaic_0001>

<sc_bundles>
// kernel: kernel.11.cloned.1.call-start
scs
__scs_entry_jumppad:
0x0: {  	(pc) =	sbr.rel $0x88, $3  }
0x1: {  	(tag) =	ssettag $0x0;
	lr =	simm.s32 $0x1  }
0x2: {  	[smem:$0x3F99] =	sst lr;
	_ =	strace $0xD0000000  }
0x3: {  	_ = 	snop  }
0x4: {  	_ = 	snop  }
0x5: {  	_ = 	snop  }
0x6: {  	_ = 	snop  }
0x7: {  	_ = 	snop  }
__scs_overlays_trampoline_lowered:
0x8: {  	[smem:$0x3FA8] =	sst s0  }
0x9: {  	[smem:$0x3FA9] =	sst s1  }
0xa: {  	[smem:$0x3FAA] =	sst s2  }
0xb: {  	[smem:$0x3FAB] =	sst s3  }
0xc: {  	[smem:$0x3FAC] =	sst s4  }
0xd: {  	[smem:$0x3FAD] =	sst s5  }
0xe: {  	[smem:$0x3FAE] =	sst s6  }
0xf: {  	[smem:$0x3FAF] =	sst s7  }
0x10: {  	[smem:$0x3FB0] =	sst s8  }
0x11: {  	[smem:$0x3FB1] =	sst s9;
	s0 =	simm.s32 @!p0 $0x0  }
0x12: {  	s1 =	sld [smem:$0x3F97];
	s0 =	simm.s32 @p0 $0x1  }
0x13: {  	[smem:$0x3FB2] =	sst s0;
	s0 =	simm.s32 @!p1 $0x0  }
0x14: {  	s2 =	sld [smem:$0x3F96];
	s0 =	simm.s32 @p1 $0x1  }
0x15: {  	[smem:$0x3FB3] =	sst s0;
	s0 =	simm.s32 @!p2 $0x0  }
0x16: {  	s3 =	sld [smem:$0x3FDB];
	s0 =	simm.s32 @p2 $0x1  }
0x17: {  	s4 =	simm.s32 $0x1BF5;
	[smem:$0x3FB5] =	sst s0  }
0x18: {  	s0 =	sld [smem:$0x3F98];
	_ =	swait.ge [sflag:s4], $0x0  }
0x19: {  	s7 =	sld [smem:$0x3F99]  }
0x1a: {  	s8 =	sadd.s32 $0xFFFFE003, lr  }
0x1b: {  	s9 =	sadd.s32 $0xFFFFFEF7, lr;
	s5 =	simm.s32 $0xFFFFFFFF;
	p2 =	slt.u32 s8, $0xFFFFF086  }
0x1c: {  	p1 =	slt.u32 s9, $0xF7A;
	s5 =	simm.s32 @!p2 $0x0  }
0x1d: {  	s5 =	simm.s32 @p1 $0x1;
	p0 =	seq.s32 s7, s2  }
0x1e: {  	s7 =	smul.u32 @!p0 $0xF7A, s2;
	p2 =	seq.s32 @!p0 s5, $0x0  }
0x1f: {  	s9 =	smul.u32 $0xF7A, s1;
	s8 =	simm.s32 @!p0 $0x1BF5;
	p2 =	por !p2, p0  }
0x20: {  	[sflag:s8] =	ssyncset.s32 @!p0 $0xFFFFF086;
	s6 =	sadd.s32 @!p0 s3, s7;
	s7 =	simm.s32 @!p0 $0x108  }
0x21: {  	s3 =	sadd.s32 s3, s9;
	s6 =	sadd.s32 @!p0 $0x88, s6;
	s7 =	simm.s32 @p2 $0x1082  }
0x22: {  	[simem:s7], [sflag:s8] =	dma.local @!p0 [hbm:s6], $0xF7A  }
0x23: {  	s9 =	sor.u32 $0xD0000000, s2;
	s6 =	simm.s32 $0x108;
	_ =	swait.ge @!p0 [sflag:s8], $0x0  }
0x24: {  	s3 =	sadd.s32 $0x88, s3;
	s6 =	simm.s32 @!p1 $0x1082;
	[sflag:s4] =	ssyncset.s32 $0xFFFFF086  }
0x25: {  	[simem:s6], [sflag:s4] =	dma.local [hbm:s3], $0xF7A  }
0x26: {  	[smem:$0x3F99] =	sst s1;
	(tag) =	ssettag s2;
	_ =	strace s9  }
0x27: {  	s1 =	sld [smem:$0x3FA9]  }
0x28: {  	s2 =	sld [smem:$0x3FAA]  }
0x29: {  	s4 =	sld [smem:$0x3FAC]  }
0x2a: {  	p0 =	seq.s32 s5, $0x0;
	s5 =	sld [smem:$0x3FAD]  }
0x2b: {  	s6 =	sld [smem:$0x3FAE]  }
0x2c: {  	s7 =	sld [smem:$0x3FAF]  }
0x2d: {  	s3 =	simm.s32 $0x108;
	s8 =	sld [smem:$0x3FB0]  }
0x2e: {  	s3 =	simm.s32 @!p0 $0x1082;
	s9 =	sld [smem:$0x3FB1]  }
0x2f: {  	lr =	sadd.s32 s0, s3;
	s0 =	sld [smem:$0x3FA8]  }
0x30: {  	s3 =	sld [smem:$0x3FAB]  }
0x31: {  	[smem:$0x3FB4] =	sst s10  }
0x32: {  	s10 =	sld [smem:$0x3FB2];
	_ =	sdelay $0x3  }
0x33: {  	p0 =	seq.s32 s10, $0x1;
	s10 =	sld [smem:$0x3FB4];
	_ =	sdelay $0x3  }
0x34: {  	[smem:$0x3FB4] =	sst s10  }
0x35: {  	s10 =	sld [smem:$0x3FB3];
	_ =	sdelay $0x3  }
0x36: {  	p1 =	seq.s32 s10, $0x1;
	s10 =	sld [smem:$0x3FB4];
	_ =	sdelay $0x3  }
0x37: {  	[smem:$0x3FB4] =	sst s10  }
0x38: {  	s10 =	sld [smem:$0x3FB5]  }
0x39: {  	_ = 	snop;
	(pc) =	sbr.ind lr, $3  }
0x3a: {  	_ = 	snop  }
0x3b: {  	_ = 	snop  }
0x3c: {  	p2 =	seq.s32 s10, $0x1;
	s10 =	sld [smem:$0x3FB4]  }
0x3d: {  	_ =	shalt  }
0x3e: {  	_ =	shalt  }
0x3f: {  	_ =	shalt  }
0x40: {  	_ =	shalt  }
0x41: {  	_ =	shalt  }
0x42: {  	_ =	shalt  }
0x43: {  	_ =	shalt  }
0x44: {  	_ =	shalt  }
0x45: {  	_ =	shalt  }
0x46: {  	_ =	shalt  }
0x47: {  	_ =	shalt  }
0x48: {  	_ =	shalt  }
0x49: {  	_ =	shalt  }
0x4a: {  	_ =	shalt  }
0x4b: {  	_ =	shalt  }
0x4c: {  	_ =	shalt  }
0x4d: {  	_ =	shalt  }
0x4e: {  	_ =	shalt  }
0x4f: {  	_ =	shalt  }
0x50: {  	_ =	shalt  }
0x51: {  	_ =	shalt  }
0x52: {  	_ =	shalt  }
0x53: {  	_ =	shalt  }
0x54: {  	_ =	shalt  }
0x55: {  	_ =	shalt  }
0x56: {  	_ =	shalt  }
0x57: {  	_ =	shalt  }
0x58: {  	_ =	shalt  }
0x59: {  	_ =	shalt  }
0x5a: {  	_ =	shalt  }
0x5b: {  	_ =	shalt  }
0x5c: {  	_ =	shalt  }
0x5d: {  	_ =	shalt  }
0x5e: {  	_ =	shalt  }
0x5f: {  	_ =	shalt  }
0x60: {  	_ =	shalt  }
0x61: {  	_ =	shalt  }
0x62: {  	_ =	shalt  }
0x63: {  	_ =	shalt  }
0x64: {  	_ =	shalt  }
0x65: {  	_ =	shalt  }
0x66: {  	_ =	shalt  }
0x67: {  	_ =	shalt  }
0x68: {  	_ =	shalt  }
0x69: {  	_ =	shalt  }
0x6a: {  	_ =	shalt  }
0x6b: {  	_ =	shalt  }
0x6c: {  	_ =	shalt  }
0x6d: {  	_ =	shalt  }
0x6e: {  	_ =	shalt  }
0x6f: {  	_ =	shalt  }
0x70: {  	_ =	shalt  }
0x71: {  	_ =	shalt  }
0x72: {  	_ =	shalt  }
0x73: {  	_ =	shalt  }
0x74: {  	_ =	shalt  }
0x75: {  	_ =	shalt  }
0x76: {  	_ =	shalt  }
0x77: {  	_ =	shalt  }
0x78: {  	_ =	shalt  }
0x79: {  	_ =	shalt  }
0x7a: {  	_ =	shalt  }
0x7b: {  	_ =	shalt  }
0x7c: {  	_ =	shalt  }
0x7d: {  	_ =	shalt  }
0x7e: {  	_ =	shalt  }
0x7f: {  	_ =	shalt  }
0x80: {  	_ =	shalt  }
0x81: {  	_ =	shalt  }
0x82: {  	_ =	shalt  }
0x83: {  	_ =	shalt  }
0x84: {  	_ =	shalt  }
0x85: {  	_ =	shalt  }
0x86: {  	_ =	shalt  }
0x87: {  	_ =	shalt  }
.Lfunc_end0:
.L_simem_size_0:
called_computation.1_lowered:
.L_overlay_start_0:
0x88: {  	s2 =	sld [smem:$0x3FD9]  }
0x89: {  	s3 =	sld [smem:$0x3FFE];
	_ =	sdelay $0x1  }
0x8a: {  	s1 =	srdreg.scid  }
0x8b: {  	s0 =	sand.u32 $0x1, s1  }
0x8c: {  	s17 =	sshll.u32 s0, $0xA;
	s2 =	sadd.s32 s3, s2  }
0x8d: {  	s2 =	sadd.s32 s2, s17  }
0x8e: {  	[smem:$0x3FC0] =	sst s2  }
0x8f: {  	_ = 	snop  }
0x90: {  	s18 =	sld [smem:$0x3FD0];
	(tm) =	ssettm $0x1  }
0x91: {  	s19 =	sld [smem:$0x3FFB];
	_ =	sdelay $0x3  }
0x92: {  	_ =	strace s19  }
0x93: {  	s2 =	sld [smem:$0x3FFC];
	_ =	sdelay $0x3  }
0x94: {  	_ =	strace s2  }
0x95: {  	s2 =	sld [smem:$0x3FFD];
	_ =	sdelay $0x3  }
0x96: {  	_ =	strace s2  }
0x97: {  	_ =	strace $0x8FFFFFFF  }
0x98: {  	s20 =	sld [smem:$0x3FDB];
	_ =	sdelay $0x1  }
0x99: {  	s4 =	simm.s32 $_scs_section_size  }
0x9a: {  	s5 =	simm.s32 $_size__tile_overlayer_lowered;
	s6 =	simm.s32 $_tile_overlayer_lowered  }
0x9b: {  	s7 =	simm.s32 $0x1BFF;
	s21 =	sshll.u32 s6, $0x1;
	s4 =	sadd.s32 s4, s20  }
0x9c: {  	s22 =	simm.s32 $0x0;
	s5 =	sshll.u32 s5, $0x1;
	s6 =	sadd.s32 s21, s4  }
0x9d: {  	[timem:s22], [sflag:s7] =	dma.local [hbm:s6], s5  }
0x9e: {  	_ =	swait.ge [sflag:s7], s5  }
0x9f: {  	s5 =	ssub.s32 $0x0, s5;
	[sflag:s7] =	ssyncset.done $0x0  }
0xa0: {  	[sflag:s7] =	ssyncadd.s32 s5;
	_ =	sdelay $0x1  }
0xa1: {  	s23 =	simm.s32 $0x1B8B  }
0xa2: {  	_ =	swait.ge [sflag:s23], $0x1  }
0xa3: {  	[sflag:s23] =	ssyncset.done $0x0  }
0xa4: {  	[sflag:s23] =	ssyncadd.s32 $0xFFFFFFFF  }
0xa5: {  	s5 =	sld [smem:$0x0]  }
0xa6: {  	s6 =	sand.u32 $0xFFFFFFFE, s1  }
0xa7: {  	p0 =	sne.s32 s1, s6  }
0xa8: {  	s6 =	sshll.u32 @p0 s6, $0xE  }
0xa9: {  	s6 =	sadd.s32 @p0 $0x11B8D, s6;
	s7 =	sshll.u32 @p0 s5, $0x11  }
0xaa: {  	s6 =	sor.u32 @p0 s7, s6  }
0xab: {  	[sflag:s6] =	ssyncadd.remote.s32 @p0 $0x1;
	_ =	sdelay $0x1  }
0xac: {  	s6 =	simm.s32 @p0 $0x1B8D  }
0xad: {  	_ =	swait.eq @p0 [sflag:s6], $0x1  }
0xae: {  	[sflag:s6] =	ssyncadd.s32 @p0 $0xFFFFFFFF  }
0xaf: {  	s7 =	sshll.u32 @!p0 s1, $0xE  }
0xb0: {  	s7 =	sor.u32 @!p0 $0x4000, s7;
	s6 =	simm.s32 @!p0 $0x1B8D  }
0xb1: {  	s5 =	sshll.u32 @!p0 s5, $0x11;
	s7 =	sadd.s32 @!p0 $0x11B8D, s7;
	_ =	swait.eq @!p0 [sflag:s6], $0x1  }
0xb2: {  	s5 =	sor.u32 @!p0 s5, s7;
	[sflag:s6] =	ssyncadd.s32 @!p0 $0xFFFFFFFF  }
0xb3: {  	s25 =	simm.s32 $0x1B8E;
	s24 =	sld [smem:$0x3FFE];
	[sflag:s5] =	ssyncadd.remote.s32 @!p0 $0x1  }
0xb4: {  	s26 =	simm.s32 $execute0_lowered;
	[smem:$0x3FD2] =	sst s25  }
0xb5: {  	s6 =	sshll.u32 s26, $0x1;
	_ =	strace $0x80000049;
	[dreg:$0x1] =	wrdreg $0xFFFFFFFF  }
0xb6: {  	s28 =	simm.s32 $_size_execute0_lowered;
	s4 =	sadd.s32 s4, s6;
	[dreg:$0x0] =	wrdreg $0x0  }
0xb7: {  	s6 =	sshll.u32 s28, $0x1;
	[dreg:$0x2] =	wrdreg s4  }
0xb8: {  	[dreg:$0x3] =	wrdreg s6  }
0xb9: {  	[dreg:$0x4] =	wrdreg $0xC0  }
0xba: {  	_ =	task [dreg:s22], $0x5FFFF  }
0xbb: {  	[dreg:$0x1] =	wrdreg $0xFFFFFFFF  }
0xbc: {  	[dreg:$0x0] =	wrdreg $0x60  }
0xbd: {  	[dreg:$0x2] =	wrdreg s18  }
0xbe: {  	[dreg:$0x3] =	wrdreg s24  }
0xbf: {  	[dreg:$0x4] =	wrdreg $0x41800  }
0xc0: {  	[dreg:$0x5] =	wrdreg $0xA  }
0xc1: {  	_ =	task.clear_ibuf [dreg:s22], $0x6FFFF;
	_ =	strace $0x90000049  }
0xc2: {  	s29 =	simm.s32 $0xA;
	_ =	strace $0x8000004B  }
0xc3: {  	_ =	swait.ge [sflag:s29], $0x1  }
0xc4: {  	[sflag:s29] =	ssyncadd.s32 $0xFFFFFFFF  }
0xc5: {  	_ =	strace $0x9000004B  }
0xc6: {  	_ =	sfence  }
0xc7: {  	s30 =	sld [smem:$0x0];
	_ =	sdelay $0x2  }
0xc8: {  	s31 =	sshll.u32 s1, $0xD;
	s1 =	sshrl.u32 s1, $0x2  }
0xc9: {  	s4 =	sand.u32 $0x4000, s31;
	s1 =	sadd.s32 s1, s30  }
0xca: {  	s0 =	sor.u32 s4, s0;
	s1 =	sshll.u32 s1, $0x11  }
0xcb: {  	s0 =	sor.u32 s1, s0  }
0xcc: {  	s0 =	sadd.s32 $0x8F2B, s0  }
0xcd: {  	[sflag:s0] =	ssyncadd.remote.s32 $0x1  }
0xce: {  	_ =	sfence.sel $0xFFFF  }
0xcf: {  	[dreg:$0x0] =	wrdreg $0xFFFFFFFF;
	(pc) =	sbr.abs _section_cstart, $3  }
0xd0: {  	[dreg:$0x1] =	wrdreg $0xFFFFFFFF  }
0xd1: {  	_ =	task.clear_ibuf [dreg:s22], $0x2FFFF;
	_ =	strace $0x9FFFFFFF  }
0xd2: {  	(tm) =	ssettm $0x7FFFFFFF  }
0xd3: {  	_ =	shalt  }
tec
execute0_lowered:
.L_overlay_start_1:
0x0: {  	(tag) =	ssettag $0x1  }
0x1: {  	s0 =	srdreg.scid  }
0x2: {  	s1 =	rddreg [dreg:$0x0];
	s7 =	sand.u32 $0x1, s0  }
0x3: {  	s0 =	stileid.u32;
	s5 =	smul.u32 $0x27100, s7  }
0x4: {  	s6 =	rddreg [dreg:$0x1];
	s8 =	smul.u32 $0x2710, s0  }
0x5: {  	s3 =	rddreg [dreg:$0x2];
	s4 =	simm.s32 $0x0;
	s11 =	smul.u32 $0x5, s0  }
0x6: {  	[smem:$0x7FF] =	sst s4;
	s12 =	sadd.s32 $0x1A00, s6;
	s10 =	smul.u32 $0x50, s0  }
0x7: {  	s16 =	sadd.s32 $0x66C00, s6;
	s20 =	ssub.s32 $0x2, s7;
	s14 =	smul.u32 $0x140000, s7  }
0x8: {  	_ =	strace $0x8000004A;
	s19 =	smul.u32 $0x14000, s0;
	s9 =	sshrl.u32 s20, $0x1  }
0x9: {  	s5 =	sadd.s32 s8, s5;
	s8 =	ssub.s32 s20, s9;
	s13 =	sadd.s32 $0x1, s11  }
0xa: {  	s15 =	sadd.s32 $0x2, s11;
	s17 =	sadd.s32 $0x3, s11;
	s20 =	sadd.s32 $0x4, s11  }
0xb: {  	s19 =	sadd.s32 s14, s19;
	s5 =	sshrl.u32 s5, $0x3;
	s7 =	smax.u32 s8, $0x1  }
0xc: {  	s21 =	sshll.u32 s13, $0x4;
	s22 =	sshll.u32 s15, $0x4;
	s23 =	sshll.u32 s17, $0x4  }
0xd: {  	s24 =	sshll.u32 s13, $0xE;
	s25 =	sshll.u32 s20, $0x4;
	s26 =	sshrl.u32 s19, $0x3  }
0xe: {  	s15 =	sshll.u32 s15, $0xE;
	s17 =	sshll.u32 s17, $0xE;
	s29 =	sshll.u32 s20, $0xE  }
0xf: {  	s20 =	simm.s32 $0x2;
	s18 =	sadd.s32 s5, s6;
	s5 =	sadd.s32 $0x16400, s6  }
0x10: {  	s6 =	sadd.s32 s12, s10;
	s8 =	sadd.s32 s12, s21;
	s9 =	sadd.s32 s12, s22  }
0x11: {  	s10 =	sadd.s32 s12, s23;
	s21 =	sadd.s32 s14, s24;
	s11 =	sadd.s32 s12, s25  }
0x12: {  	s12 =	sadd.s32 s16, s26;
	s15 =	sadd.s32 s14, s15;
	s17 =	sadd.s32 s14, s17  }
0x13: {  	s19 =	sadd.s32 s14, s29;
	s22 =	simm.s32 $0x7D;
	s23 =	simm.s32 $0x80  }
0x14: {  	s24 =	simm.s32 $0x50;
	s25 =	simm.s32 $0x1;
	s26 =	simm.s32 $0x0  }
0x15: {  	s28 =	sshrl.u32 s21, $0x3;
	s15 =	sshrl.u32 s15, $0x3;
	s30 =	sshrl.u32 s17, $0x3  }
0x16: {  	s31 =	sshrl.u32 s19, $0x3;
	s17 =	sadd.s32 $0xBE00, s18;
	s18 =	sadd.s32 $0x2000, s18  }
0x17: {  	s19 =	simm.s32 $0x180;
	s21 =	simm.s32 $0x100;
	s13 =	sadd.s32 s16, s28  }
0x18: {  	s14 =	sadd.s32 s16, s15;
	s15 =	sadd.s32 s16, s30;
	s16 =	sadd.s32 s16, s31  }
.LBB2_1:
0x19: {  	[tilespmem:s19], [sflag:$0x2] =	stream.linear.gather [hbm4b:s5+s4], $0x3E80, $0x38;
	[tilespmem:$0x17A00] =	vst v63  }
0x1a: {  	_ =	swait.ge [sflag:s20], $0x3E80  }
0x1b: {  	[sflag:s20] =	ssyncset.done $0x0  }
0x1c: {  	[sflag:s20] =	ssyncadd.s32 $0xFFFFC180  }
0x1d: {  	[tilespmem:s21], [sflag:$0x2] =	stream.linear.gather [hbm4b:s6+s4], $0x80, $0x38;
	[tilespmem:$0x17A00] =	vst v63  }
0x1e: {  	_ =	swait.ge [sflag:s20], $0x80  }
0x1f: {  	[sflag:s20] =	ssyncset.done $0x0  }
0x20: {  	[sflag:s20] =	ssyncadd.s32 $0xFFFFFF80  }
0x21: {  	[spmem:s3] =	stream.indirect.scatter [tilespmem:s19], [sflag:$0x2], $0x80, s21, s22, $0xb8;
	[tilespmem:$0x17A00] =	vst v63  }
0x22: {  	_ =	swait.ge [sflag:s20], $0x3E80  }
0x23: {  	[sflag:s20] =	ssyncset.done $0x0  }
0x24: {  	[sflag:s20] =	ssyncadd.s32 $0xFFFFC180  }
0x25: {  	[tilespmem:s21], [sflag:$0x2] =	stream.linear.gather [hbm4b:s8+s4], $0x80, $0x38;
	[tilespmem:$0x17A00] =	vst v63  }
0x26: {  	_ =	swait.ge [sflag:s20], $0x80  }
0x27: {  	[sflag:s20] =	ssyncset.done $0x0  }
0x28: {  	[sflag:s20] =	ssyncadd.s32 $0xFFFFFF80  }
0x29: {  	[spmem:s3] =	stream.indirect.scatter [tilespmem:s19], [sflag:$0x2], $0x80, s21, s22, $0xb8;
	[tilespmem:$0x17A00] =	vst v63  }
0x2a: {  	_ =	swait.ge [sflag:s20], $0x3E80  }
0x2b: {  	[sflag:s20] =	ssyncset.done $0x0  }
0x2c: {  	[sflag:s20] =	ssyncadd.s32 $0xFFFFC180  }
0x2d: {  	[tilespmem:s21], [sflag:$0x2] =	stream.linear.gather [hbm4b:s9+s4], $0x80, $0x38;
	[tilespmem:$0x17A00] =	vst v63  }
0x2e: {  	_ =	swait.ge [sflag:s20], $0x80  }
0x2f: {  	[sflag:s20] =	ssyncset.done $0x0  }
0x30: {  	[sflag:s20] =	ssyncadd.s32 $0xFFFFFF80  }
0x31: {  	[spmem:s3] =	stream.indirect.scatter [tilespmem:s19], [sflag:$0x2], $0x80, s21, s22, $0xb8;
	[tilespmem:$0x17A00] =	vst v63  }
0x32: {  	_ =	swait.ge [sflag:s20], $0x3E80  }
0x33: {  	[sflag:s20] =	ssyncset.done $0x0  }
0x34: {  	[sflag:s20] =	ssyncadd.s32 $0xFFFFC180  }
0x35: {  	[tilespmem:s21], [sflag:$0x2] =	stream.linear.gather [hbm4b:s10+s4], $0x80, $0x38;
	[tilespmem:$0x17A00] =	vst v63  }
0x36: {  	_ =	swait.ge [sflag:s20], $0x80  }
0x37: {  	[sflag:s20] =	ssyncset.done $0x0  }
0x38: {  	[sflag:s20] =	ssyncadd.s32 $0xFFFFFF80  }
0x39: {  	[spmem:s3] =	stream.indirect.scatter [tilespmem:s19], [sflag:$0x2], $0x80, s21, s22, $0xb8;
	[tilespmem:$0x17A00] =	vst v63  }
0x3a: {  	_ =	swait.ge [sflag:s20], $0x3E80  }
0x3b: {  	[sflag:s20] =	ssyncset.done $0x0  }
0x3c: {  	[sflag:s20] =	ssyncadd.s32 $0xFFFFC180  }
0x3d: {  	[tilespmem:s21], [sflag:$0x2] =	stream.linear.gather [hbm4b:s11+s4], $0x80, $0x38;
	[tilespmem:$0x17A00] =	vst v63  }
0x3e: {  	_ =	swait.ge [sflag:s20], $0x80  }
0x3f: {  	[sflag:s20] =	ssyncset.done $0x0  }
0x40: {  	[sflag:s20] =	ssyncadd.s32 $0xFFFFFF80  }
0x41: {  	[spmem:s3] =	stream.indirect.scatter [tilespmem:s19], [sflag:$0x2], $0x80, s21, s22, $0xb8;
	[tilespmem:$0x17A00] =	vst v63  }
0x42: {  	_ =	swait.ge [sflag:s20], $0x3E80  }
0x43: {  	[sflag:s20] =	ssyncset.done $0x0  }
0x44: {  	[sflag:s20] =	ssyncadd.s32 $0xFFFFC180  }
0x45: {  	s28 =	sadd.s32 $0x0, s18;
	[bflag:$0x0] =	sbarrier.arrive $0xFFFF  }
0x46: {  	[tilespmem:s23], [sflag:$0x2] =	stream.linear.gather [hbm4b:s28+s4], $0x50, $0x38;
	[tilespmem:$0x17A00] =	vst v63  }
0x47: {  	_ =	swait.ge [sflag:s20], $0x50  }
0x48: {  	[sflag:s20] =	ssyncset.done $0x0  }
0x49: {  	s28 =	sadd.s32 $0x0, s17;
	[sflag:s20] =	ssyncadd.s32 $0xFFFFFFB0  }
0x4a: {  	[tilespmem:s4], [sflag:$0x2] =	stream.linear.gather [hbm4b:s28+s4], $0x50, $0x38;
	[tilespmem:$0x17A00] =	vst v63  }
0x4b: {  	_ =	swait.ge [sflag:s20], $0x50  }
0x4c: {  	[sflag:s20] =	ssyncset.done $0x0  }
0x4d: {  	[sflag:s20] =	ssyncadd.s32 $0xFFFFFFB0  }
0x4e: {  	[tilespmem:s19], [sflag:$0x1] =	stream.indirect.gather [hbm4b:s1+s24], $0x80, s4, s24, $0xb8;
	[tilespmem:$0x17A00] =	vst v63  }
0x4f: {  	_ =	swait.ge [sflag:s25], $0x2800  }
0x50: {  	[sflag:s25] =	ssyncset.done $0x0  }
0x51: {  	[sflag:s25] =	ssyncadd.s32 $0xFFFFD800  }
0x52: {  	[spmem:s3] =	stream.indirect.scatter.add.f32 [tilespmem:s19], [sflag:$0x2], $0x80, s23, s24, $0xb8;
	[tilespmem:$0x17A00] =	vst v63  }
0x53: {  	_ =	swait.ge [sflag:s20], $0x2800  }
0x54: {  	s29 =	simm.s32 $0x14;
	s28 =	simm.s32 $0xA;
	[sflag:s20] =	ssyncset.done $0x0  }
.LBB2_2:
0x55: {  	s30 =	sadd.s32 s28, s18  }
0x56: {  	[sflag:s20] =	ssyncadd.s32 $0xFFFFD800;
	s31 =	smov.u32 s29;
	s2 =	sadd.s32 $0xA, s29  }
0x57: {  	[tilespmem:s23], [sflag:$0x2] =	stream.linear.gather [hbm4b:s30+s4], $0x50, $0x38;
	[tilespmem:$0x17A00] =	vst v63  }
0x58: {  	p0 =	sne.s32 s29, $0x4D8;
	_ =	swait.ge [sflag:s20], $0x50  }
0x59: {  	[sflag:s20] =	ssyncset.done $0x0  }
0x5a: {  	s29 =	sadd.s32 s28, s17;
	s28 =	smov.u32 s31;
	[sflag:s20] =	ssyncadd.s32 $0xFFFFFFB0  }
0x5b: {  	[tilespmem:s4], [sflag:$0x2] =	stream.linear.gather [hbm4b:s29+s4], $0x50, $0x38;
	[tilespmem:$0x17A00] =	vst v63  }
0x5c: {  	_ =	swait.ge [sflag:s20], $0x50  }
0x5d: {  	[sflag:s20] =	ssyncset.done $0x0  }
0x5e: {  	[sflag:s20] =	ssyncadd.s32 $0xFFFFFFB0  }
0x5f: {  	[tilespmem:s19], [sflag:$0x1] =	stream.indirect.gather [hbm4b:s1+s24], $0x80, s4, s24, $0xb8;
	[tilespmem:$0x17A00] =	vst v63  }
0x60: {  	_ =	swait.ge [sflag:s25], $0x2800  }
.Ltmp0:
0x61: {  	[sflag:s25] =	ssyncset.done $0x0;
	(pc) =	sbr.rel @p0 .LBB2_2-.Ltmp0, $4  }
0x62: {  	[sflag:s25] =	ssyncadd.s32 $0xFFFFD800  }
0x63: {  	[spmem:s3] =	stream.indirect.scatter.add.f32 [tilespmem:s19], [sflag:$0x2], $0x80, s23, s24, $0xb8;
	[tilespmem:$0x17A00] =	vst v63  }
0x64: {  	_ =	swait.ge [sflag:s20], $0x2800  }
0x65: {  	s29 =	smov.u32 s2;
	[sflag:s20] =	ssyncset.done $0x0  }
0x66: {  	s2 =	sadd.s32 s28, s18;
	[sflag:s20] =	ssyncadd.s32 $0xFFFFD800  }
0x67: {  	[tilespmem:s23], [sflag:$0x2] =	stream.linear.gather [hbm4b:s2+s4], $0x50, $0x38;
	[tilespmem:$0x17A00] =	vst v63  }
0x68: {  	_ =	swait.ge [sflag:s20], $0x50  }
0x69: {  	[sflag:s20] =	ssyncset.done $0x0  }
0x6a: {  	s31 =	sadd.s32 s28, s17;
	[sflag:s20] =	ssyncadd.s32 $0xFFFFFFB0  }
0x6b: {  	[tilespmem:s4], [sflag:$0x2] =	stream.linear.gather [hbm4b:s31+s4], $0x50, $0x38;
	[tilespmem:$0x17A00] =	vst v63  }
0x6c: {  	_ =	swait.ge [sflag:s20], $0x50  }
0x6d: {  	[sflag:s20] =	ssyncset.done $0x0  }
0x6e: {  	[sflag:s20] =	ssyncadd.s32 $0xFFFFFFB0  }
0x6f: {  	[tilespmem:s19], [sflag:$0x1] =	stream.indirect.gather [hbm4b:s1+s24], $0x80, s4, s24, $0xb8;
	[tilespmem:$0x17A00] =	vst v63  }
0x70: {  	_ =	swait.ge [sflag:s25], $0x2800  }
0x71: {  	[sflag:s25] =	ssyncset.done $0x0  }
0x72: {  	[sflag:s25] =	ssyncadd.s32 $0xFFFFD800  }
0x73: {  	[spmem:s3] =	stream.indirect.scatter.add.f32 [tilespmem:s19], [sflag:$0x2], $0x80, s23, s24, $0xb8;
	[tilespmem:$0x17A00] =	vst v63  }
0x74: {  	_ =	swait.ge [sflag:s20], $0x2800  }
0x75: {  	[sflag:s20] =	ssyncset.done $0x0  }
0x76: {  	[sflag:s20] =	ssyncadd.s32 $0xFFFFD800  }
0x77: {  	[bflag:$0x0] =	sbarrier.arrive $0xFFFF  }
0x78: {  	[tilespmem:s21], [sflag:$0x2] =	stream.linear.gather [hbm4b:s6+s4], $0x80, $0x38;
	[tilespmem:$0x17A00] =	vst v63  }
0x79: {  	_ =	swait.ge [sflag:s20], $0x80  }
0x7a: {  	[sflag:s20] =	ssyncset.done $0x0  }
0x7b: {  	[sflag:s20] =	ssyncadd.s32 $0xFFFFFF80  }
0x7c: {  	[tilespmem:s19], [sflag:$0x1] =	stream.indirect.gather [spmem:s3], $0x80, s21, s22, $0xb8;
	[tilespmem:$0x17A00] =	vst v63  }
0x7d: {  	_ =	swait.ge [sflag:s25], $0x3E80  }
0x7e: {  	[sflag:s25] =	ssyncset.done $0x0  }
0x7f: {  	[sflag:s25] =	ssyncadd.s32 $0xFFFFC180  }
0x80: {  	[hbm4b:s12+s4] =	stream.linear.scatter [tilespmem:s19], [sflag:$0x2], $0x3E80, $0x38;
	[tilespmem:$0x17A00] =	vst v63  }
0x81: {  	_ =	swait.ge [sflag:s20], $0x3E80  }
0x82: {  	[sflag:s20] =	ssyncset.done $0x0  }
0x83: {  	[sflag:s20] =	ssyncadd.s32 $0xFFFFC180  }
0x84: {  	[tilespmem:s21], [sflag:$0x2] =	stream.linear.gather [hbm4b:s8+s4], $0x80, $0x38;
	[tilespmem:$0x17A00] =	vst v63  }
0x85: {  	_ =	swait.ge [sflag:s20], $0x80  }
0x86: {  	[sflag:s20] =	ssyncset.done $0x0  }
0x87: {  	[sflag:s20] =	ssyncadd.s32 $0xFFFFFF80  }
0x88: {  	[tilespmem:s19], [sflag:$0x1] =	stream.indirect.gather [spmem:s3], $0x80, s21, s22, $0xb8;
	[tilespmem:$0x17A00] =	vst v63  }
0x89: {  	_ =	swait.ge [sflag:s25], $0x3E80  }
0x8a: {  	[sflag:s25] =	ssyncset.done $0x0  }
0x8b: {  	[sflag:s25] =	ssyncadd.s32 $0xFFFFC180  }
0x8c: {  	[hbm4b:s13+s4] =	stream.linear.scatter [tilespmem:s19], [sflag:$0x2], $0x3E80, $0x38;
	[tilespmem:$0x17A00] =	vst v63  }
0x8d: {  	_ =	swait.ge [sflag:s20], $0x3E80  }
0x8e: {  	[sflag:s20] =	ssyncset.done $0x0  }
0x8f: {  	[sflag:s20] =	ssyncadd.s32 $0xFFFFC180  }
0x90: {  	[tilespmem:s21], [sflag:$0x2] =	stream.linear.gather [hbm4b:s9+s4], $0x80, $0x38;
	[tilespmem:$0x17A00] =	vst v63  }
0x91: {  	_ =	swait.ge [sflag:s20], $0x80  }
0x92: {  	[sflag:s20] =	ssyncset.done $0x0  }
0x93: {  	[sflag:s20] =	ssyncadd.s32 $0xFFFFFF80  }
0x94: {  	[tilespmem:s19], [sflag:$0x1] =	stream.indirect.gather [spmem:s3], $0x80, s21, s22, $0xb8;
	[tilespmem:$0x17A00] =	vst v63  }
0x95: {  	_ =	swait.ge [sflag:s25], $0x3E80  }
0x96: {  	[sflag:s25] =	ssyncset.done $0x0  }
0x97: {  	[sflag:s25] =	ssyncadd.s32 $0xFFFFC180  }
0x98: {  	[hbm4b:s14+s4] =	stream.linear.scatter [tilespmem:s19], [sflag:$0x2], $0x3E80, $0x38;
	[tilespmem:$0x17A00] =	vst v63  }
0x99: {  	_ =	swait.ge [sflag:s20], $0x3E80  }
0x9a: {  	[sflag:s20] =	ssyncset.done $0x0  }
0x9b: {  	[sflag:s20] =	ssyncadd.s32 $0xFFFFC180  }
0x9c: {  	[tilespmem:s21], [sflag:$0x2] =	stream.linear.gather [hbm4b:s10+s4], $0x80, $0x38;
	[tilespmem:$0x17A00] =	vst v63  }
0x9d: {  	_ =	swait.ge [sflag:s20], $0x80  }
0x9e: {  	[sflag:s20] =	ssyncset.done $0x0  }
0x9f: {  	[sflag:s20] =	ssyncadd.s32 $0xFFFFFF80  }
0xa0: {  	[tilespmem:s19], [sflag:$0x1] =	stream.indirect.gather [spmem:s3], $0x80, s21, s22, $0xb8;
	[tilespmem:$0x17A00] =	vst v63  }
0xa1: {  	_ =	swait.ge [sflag:s25], $0x3E80  }
0xa2: {  	[sflag:s25] =	ssyncset.done $0x0  }
0xa3: {  	[sflag:s25] =	ssyncadd.s32 $0xFFFFC180  }
0xa4: {  	[hbm4b:s15+s4] =	stream.linear.scatter [tilespmem:s19], [sflag:$0x2], $0x3E80, $0x38;
	[tilespmem:$0x17A00] =	vst v63  }
0xa5: {  	_ =	swait.ge [sflag:s20], $0x3E80  }
0xa6: {  	[sflag:s20] =	ssyncset.done $0x0  }
0xa7: {  	[sflag:s20] =	ssyncadd.s32 $0xFFFFC180  }
0xa8: {  	[tilespmem:s21], [sflag:$0x2] =	stream.linear.gather [hbm4b:s11+s4], $0x80, $0x38;
	[tilespmem:$0x17A00] =	vst v63  }
0xa9: {  	_ =	swait.ge [sflag:s20], $0x80  }
0xaa: {  	[sflag:s20] =	ssyncset.done $0x0  }
0xab: {  	[sflag:s20] =	ssyncadd.s32 $0xFFFFFF80  }
0xac: {  	[tilespmem:s19], [sflag:$0x1] =	stream.indirect.gather [spmem:s3], $0x80, s21, s22, $0xb8;
	[tilespmem:$0x17A00] =	vst v63  }
0xad: {  	s26 =	sadd.s32 $0x1, s26;
	_ =	swait.ge [sflag:s25], $0x3E80  }
0xae: {  	p0 =	sne.s32 s26, s7;
	[sflag:s25] =	ssyncset.done $0x0  }
.Ltmp1:
0xaf: {  	[sflag:s25] =	ssyncadd.s32 $0xFFFFC180;
	(pc) =	sbr.rel @p0 .LBB2_1-.Ltmp1, $4  }
0xb0: {  	[hbm4b:s16+s4] =	stream.linear.scatter [tilespmem:s19], [sflag:$0x2], $0x3E80, $0x38;
	[tilespmem:$0x17A00] =	vst v63  }
0xb1: {  	_ =	swait.ge [sflag:s20], $0x3E80  }
0xb2: {  	[sflag:s20] =	ssyncset.done $0x0  }
0xb3: {  	[sflag:s20] =	ssyncadd.s32 $0xFFFFC180  }
0xb4: {  	_ =	sfence.sel $0x180000  }
0xb5: {  	[bflag:$0x0] =	sbarrier.arrive $0xFFFF  }
0xb6: {  	_ =	strace $0x9000004A  }
0xb7: {  	[bflag:$0x2] =	sbarrier.arrive $0xFFFF  }
0xb8: {  	p0 =	sne.s32 s0, $0x0;
	s0 =	rddreg [dreg:$0x3]  }
0xb9: {  	s0 =	sadd.s32 @!p0 $0x100000, s0  }
0xba: {  	[sflag:s0] =	ssyncadd.tile.s32 @!p0 $0x1;
	_ =	shalt  }
.Lfunc_end2:
_tile_overlayer_lowered:
.L_overlay_start_2:
0xbb: {  	(tag) =	ssettag $0x2  }
0xbc: {  	s0 =	rddreg [dreg:$0x0];
	s2 =	stileid.u32  }
0xbd: {  	s1 =	rddreg [dreg:$0x1];
	p0 =	sne.s32 s2, $0x0  }
0xbe: {  	s3 =	rddreg [dreg:$0x2];
	[bflag:$0x3] =	sbarrier.arrive $0xFFFF;
	s2 =	simm.s32 @!p0 $0x1C02  }
0xbf: {  	[timem:s3], [sflag:s2] =	dma.local @!p0 [hbm:s0], s1  }
0xc0: {  	s0 =	simm.s32 @!p0 $0x2  }
0xc1: {  	_ =	swait.ge @!p0 [sflag:s0], s1  }
0xc2: {  	s1 =	ssub.s32 @!p0 $0x0, s1;
	[sflag:s0] =	ssyncset.done @!p0 $0x0  }
0xc3: {  	[sflag:s0] =	ssyncadd.s32 @!p0 s1  }
0xc4: {  	[bflag:$0x3] =	sbarrier.arrive $0xFFFF  }
0xc5: {  	_ =	shalt  }

// kernel: kernel.14.cloned.1.call-start
scs
__scs_entry_jumppad:
0x0: {  	(pc) =	sbr.rel $0x88, $3  }
0x1: {  	(tag) =	ssettag $0x0;
	lr =	simm.s32 $0x1  }
0x2: {  	[smem:$0x3F99] =	sst lr;
	_ =	strace $0xD0000000  }
0x3: {  	_ = 	snop  }
0x4: {  	_ = 	snop  }
0x5: {  	_ = 	snop  }
0x6: {  	_ = 	snop  }
0x7: {  	_ = 	snop  }
__scs_overlays_trampoline_lowered:
0x8: {  	[smem:$0x3FA8] =	sst s0  }
0x9: {  	[smem:$0x3FA9] =	sst s1  }
0xa: {  	[smem:$0x3FAA] =	sst s2  }
0xb: {  	[smem:$0x3FAB] =	sst s3  }
0xc: {  	[smem:$0x3FAC] =	sst s4  }
0xd: {  	[smem:$0x3FAD] =	sst s5  }
0xe: {  	[smem:$0x3FAE] =	sst s6  }
0xf: {  	[smem:$0x3FAF] =	sst s7  }
0x10: {  	[smem:$0x3FB0] =	sst s8  }
0x11: {  	[smem:$0x3FB1] =	sst s9;
	s0 =	simm.s32 @!p0 $0x0  }
0x12: {  	s1 =	sld [smem:$0x3F97];
	s0 =	simm.s32 @p0 $0x1  }
0x13: {  	[smem:$0x3FB2] =	sst s0;
	s0 =	simm.s32 @!p1 $0x0  }
0x14: {  	s2 =	sld [smem:$0x3F96];
	s0 =	simm.s32 @p1 $0x1  }
0x15: {  	[smem:$0x3FB3] =	sst s0;
	s0 =	simm.s32 @!p2 $0x0  }
0x16: {  	s3 =	sld [smem:$0x3FDB];
	s0 =	simm.s32 @p2 $0x1  }
0x17: {  	s4 =	simm.s32 $0x1BF5;
	[smem:$0x3FB5] =	sst s0  }
0x18: {  	s0 =	sld [smem:$0x3F98];
	_ =	swait.ge [sflag:s4], $0x0  }
0x19: {  	s7 =	sld [smem:$0x3F99]  }
0x1a: {  	s8 =	sadd.s32 $0xFFFFE003, lr  }
0x1b: {  	s9 =	sadd.s32 $0xFFFFFEF7, lr;
	s5 =	simm.s32 $0xFFFFFFFF;
	p2 =	slt.u32 s8, $0xFFFFF086  }
0x1c: {  	p1 =	slt.u32 s9, $0xF7A;
	s5 =	simm.s32 @!p2 $0x0  }
0x1d: {  	s5 =	simm.s32 @p1 $0x1;
	p0 =	seq.s32 s7, s2  }
0x1e: {  	s7 =	smul.u32 @!p0 $0xF7A, s2;
	p2 =	seq.s32 @!p0 s5, $0x0  }
0x1f: {  	s9 =	smul.u32 $0xF7A, s1;
	s8 =	simm.s32 @!p0 $0x1BF5;
	p2 =	por !p2, p0  }
0x20: {  	[sflag:s8] =	ssyncset.s32 @!p0 $0xFFFFF086;
	s6 =	sadd.s32 @!p0 s3, s7;
	s7 =	simm.s32 @!p0 $0x108  }
0x21: {  	s3 =	sadd.s32 s3, s9;
	s6 =	sadd.s32 @!p0 $0x88, s6;
	s7 =	simm.s32 @p2 $0x1082  }
0x22: {  	[simem:s7], [sflag:s8] =	dma.local @!p0 [hbm:s6], $0xF7A  }
0x23: {  	s9 =	sor.u32 $0xD0000000, s2;
	s6 =	simm.s32 $0x108;
	_ =	swait.ge @!p0 [sflag:s8], $0x0  }
0x24: {  	s3 =	sadd.s32 $0x88, s3;
	s6 =	simm.s32 @!p1 $0x1082;
	[sflag:s4] =	ssyncset.s32 $0xFFFFF086  }
0x25: {  	[simem:s6], [sflag:s4] =	dma.local [hbm:s3], $0xF7A  }
0x26: {  	[smem:$0x3F99] =	sst s1;
	(tag) =	ssettag s2;
	_ =	strace s9  }
0x27: {  	s1 =	sld [smem:$0x3FA9]  }
0x28: {  	s2 =	sld [smem:$0x3FAA]  }
0x29: {  	s4 =	sld [smem:$0x3FAC]  }
0x2a: {  	p0 =	seq.s32 s5, $0x0;
	s5 =	sld [smem:$0x3FAD]  }
0x2b: {  	s6 =	sld [smem:$0x3FAE]  }
0x2c: {  	s7 =	sld [smem:$0x3FAF]  }
0x2d: {  	s3 =	simm.s32 $0x108;
	s8 =	sld [smem:$0x3FB0]  }
0x2e: {  	s3 =	simm.s32 @!p0 $0x1082;
	s9 =	sld [smem:$0x3FB1]  }
0x2f: {  	lr =	sadd.s32 s0, s3;
	s0 =	sld [smem:$0x3FA8]  }
0x30: {  	s3 =	sld [smem:$0x3FAB]  }
0x31: {  	[smem:$0x3FB4] =	sst s10  }
0x32: {  	s10 =	sld [smem:$0x3FB2];
	_ =	sdelay $0x3  }
0x33: {  	p0 =	seq.s32 s10, $0x1;
	s10 =	sld [smem:$0x3FB4];
	_ =	sdelay $0x3  }
0x34: {  	[smem:$0x3FB4] =	sst s10  }
0x35: {  	s10 =	sld [smem:$0x3FB3];
	_ =	sdelay $0x3  }
0x36: {  	p1 =	seq.s32 s10, $0x1;
	s10 =	sld [smem:$0x3FB4];
	_ =	sdelay $0x3  }
0x37: {  	[smem:$0x3FB4] =	sst s10  }
0x38: {  	s10 =	sld [smem:$0x3FB5]  }
0x39: {  	_ = 	snop;
	(pc) =	sbr.ind lr, $3  }
0x3a: {  	_ = 	snop  }
0x3b: {  	_ = 	snop  }
0x3c: {  	p2 =	seq.s32 s10, $0x1;
	s10 =	sld [smem:$0x3FB4]  }
0x3d: {  	_ =	shalt  }
0x3e: {  	_ =	shalt  }
0x3f: {  	_ =	shalt  }
0x40: {  	_ =	shalt  }
0x41: {  	_ =	shalt  }
0x42: {  	_ =	shalt  }
0x43: {  	_ =	shalt  }
0x44: {  	_ =	shalt  }
0x45: {  	_ =	shalt  }
0x46: {  	_ =	shalt  }
0x47: {  	_ =	shalt  }
0x48: {  	_ =	shalt  }
0x49: {  	_ =	shalt  }
0x4a: {  	_ =	shalt  }
0x4b: {  	_ =	shalt  }
0x4c: {  	_ =	shalt  }
0x4d: {  	_ =	shalt  }
0x4e: {  	_ =	shalt  }
0x4f: {  	_ =	shalt  }
0x50: {  	_ =	shalt  }
0x51: {  	_ =	shalt  }
0x52: {  	_ =	shalt  }
0x53: {  	_ =	shalt  }
0x54: {  	_ =	shalt  }
0x55: {  	_ =	shalt  }
0x56: {  	_ =	shalt  }
0x57: {  	_ =	shalt  }
0x58: {  	_ =	shalt  }
0x59: {  	_ =	shalt  }
0x5a: {  	_ =	shalt  }
0x5b: {  	_ =	shalt  }
0x5c: {  	_ =	shalt  }
0x5d: {  	_ =	shalt  }
0x5e: {  	_ =	shalt  }
0x5f: {  	_ =	shalt  }
0x60: {  	_ =	shalt  }
0x61: {  	_ =	shalt  }
0x62: {  	_ =	shalt  }
0x63: {  	_ =	shalt  }
0x64: {  	_ =	shalt  }
0x65: {  	_ =	shalt  }
0x66: {  	_ =	shalt  }
0x67: {  	_ =	shalt  }
0x68: {  	_ =	shalt  }
0x69: {  	_ =	shalt  }
0x6a: {  	_ =	shalt  }
0x6b: {  	_ =	shalt  }
0x6c: {  	_ =	shalt  }
0x6d: {  	_ =	shalt  }
0x6e: {  	_ =	shalt  }
0x6f: {  	_ =	shalt  }
0x70: {  	_ =	shalt  }
0x71: {  	_ =	shalt  }
0x72: {  	_ =	shalt  }
0x73: {  	_ =	shalt  }
0x74: {  	_ =	shalt  }
0x75: {  	_ =	shalt  }
0x76: {  	_ =	shalt  }
0x77: {  	_ =	shalt  }
0x78: {  	_ =	shalt  }
0x79: {  	_ =	shalt  }
0x7a: {  	_ =	shalt  }
0x7b: {  	_ =	shalt  }
0x7c: {  	_ =	shalt  }
0x7d: {  	_ =	shalt  }
0x7e: {  	_ =	shalt  }
0x7f: {  	_ =	shalt  }
0x80: {  	_ =	shalt  }
0x81: {  	_ =	shalt  }
0x82: {  	_ =	shalt  }
0x83: {  	_ =	shalt  }
0x84: {  	_ =	shalt  }
0x85: {  	_ =	shalt  }
0x86: {  	_ =	shalt  }
0x87: {  	_ =	shalt  }
.Lfunc_end0:
.L_simem_size_0:
called_computation.2_lowered:
.L_overlay_start_0:
0x88: {  	s2 =	sld [smem:$0x3FD9]  }
0x89: {  	s3 =	sld [smem:$0x3FFE];
	_ =	sdelay $0x1  }
0x8a: {  	s1 =	srdreg.scid  }
0x8b: {  	s0 =	sand.u32 $0x1, s1  }
0x8c: {  	s17 =	sshll.u32 s0, $0xA;
	s2 =	sadd.s32 s3, s2  }
0x8d: {  	s2 =	sadd.s32 s2, s17  }
0x8e: {  	[smem:$0x3FC0] =	sst s2  }
0x8f: {  	_ = 	snop  }
0x90: {  	s2 =	sld [smem:$0x3FD0];
	(tm) =	ssettm $0x1  }
0x91: {  	s18 =	sld [smem:$0x3FFB];
	_ =	sdelay $0x3  }
0x92: {  	_ =	strace s18  }
0x93: {  	s3 =	sld [smem:$0x3FFC];
	_ =	sdelay $0x3  }
0x94: {  	_ =	strace s3  }
0x95: {  	s3 =	sld [smem:$0x3FFD];
	_ =	sdelay $0x3  }
0x96: {  	_ =	strace s3  }
0x97: {  	_ =	strace $0x8FFFFFFF  }
0x98: {  	s19 =	sld [smem:$0x3FDB];
	_ =	sdelay $0x1  }
0x99: {  	s4 =	simm.s32 $_scs_section_size  }
0x9a: {  	s5 =	simm.s32 $_size__tile_overlayer_lowered;
	s6 =	simm.s32 $_tile_overlayer_lowered  }
0x9b: {  	s22 =	simm.s32 $0x1BFF;
	s21 =	sshll.u32 s6, $0x1;
	s3 =	sadd.s32 s4, s19  }
0x9c: {  	s7 =	simm.s32 $0x0;
	s20 =	sshll.u32 s5, $0x1;
	s5 =	sadd.s32 s21, s3  }
0x9d: {  	[timem:s7], [sflag:s22] =	dma.local [hbm:s5], s20  }
0x9e: {  	_ =	swait.ge [sflag:s22], s20  }
0x9f: {  	s4 =	ssub.s32 $0x0, s20;
	[sflag:s22] =	ssyncset.done $0x0  }
0xa0: {  	[sflag:s22] =	ssyncadd.s32 s4;
	_ =	sdelay $0x1  }
0xa1: {  	s23 =	simm.s32 $0x1B8B  }
0xa2: {  	_ =	swait.ge [sflag:s23], $0x1  }
0xa3: {  	[sflag:s23] =	ssyncset.done $0x0  }
0xa4: {  	s25 =	simm.s32 $0x1B8E;
	s24 =	sld [smem:$0x3FFE];
	[sflag:s23] =	ssyncadd.s32 $0xFFFFFFFF  }
0xa5: {  	s26 =	simm.s32 $execute0_lowered;
	[smem:$0x3FD2] =	sst s25  }
0xa6: {  	s5 =	sshll.u32 s26, $0x1;
	_ =	strace $0x8000004C;
	[dreg:$0x1] =	wrdreg $0xFFFFFFFF  }
0xa7: {  	s28 =	simm.s32 $_size_execute0_lowered;
	s3 =	sadd.s32 s3, s5;
	[dreg:$0x0] =	wrdreg $0x0  }
0xa8: {  	s5 =	sshll.u32 s28, $0x1;
	[dreg:$0x2] =	wrdreg s3  }
0xa9: {  	[dreg:$0x3] =	wrdreg s5  }
0xaa: {  	[dreg:$0x4] =	wrdreg $0xC0  }
0xab: {  	_ =	task [dreg:s7], $0x5FFFF  }
0xac: {  	[dreg:$0x1] =	wrdreg $0xFFFFFFFF  }
0xad: {  	[dreg:$0x0] =	wrdreg $0x60  }
0xae: {  	[dreg:$0x2] =	wrdreg s2  }
0xaf: {  	[dreg:$0x3] =	wrdreg s24  }
0xb0: {  	[dreg:$0x4] =	wrdreg $0x41800  }
0xb1: {  	[dreg:$0x5] =	wrdreg $0x9  }
0xb2: {  	_ =	task.clear_ibuf [dreg:s7], $0x6FFFF;
	_ =	strace $0x9000004C  }
0xb3: {  	s29 =	simm.s32 $0x9;
	_ =	strace $0x8000004E  }
0xb4: {  	_ =	swait.ge [sflag:s29], $0x1  }
0xb5: {  	[sflag:s29] =	ssyncadd.s32 $0xFFFFFFFF  }
0xb6: {  	_ =	strace $0x9000004E  }
0xb7: {  	_ =	sfence  }
0xb8: {  	s30 =	sld [smem:$0x0];
	_ =	sdelay $0x2  }
0xb9: {  	s31 =	sshll.u32 s1, $0xD;
	s1 =	sshrl.u32 s1, $0x2  }
0xba: {  	s3 =	sand.u32 $0x4000, s31;
	s1 =	sadd.s32 s1, s30  }
0xbb: {  	s0 =	sor.u32 s3, s0;
	s1 =	sshll.u32 s1, $0x11  }
0xbc: {  	s0 =	sor.u32 s1, s0  }
0xbd: {  	s0 =	sadd.s32 $0x8F2B, s0  }
0xbe: {  	[sflag:s0] =	ssyncadd.remote.s32 $0x1  }
0xbf: {  	_ =	sfence.sel $0xFFFF  }
0xc0: {  	[dreg:$0x0] =	wrdreg $0xFFFFFFFF;
	(pc) =	sbr.abs _section_cstart, $3  }
0xc1: {  	[dreg:$0x1] =	wrdreg $0xFFFFFFFF  }
0xc2: {  	_ =	task.clear_ibuf [dreg:s7], $0x2FFFF;
	_ =	strace $0x9FFFFFFF  }
0xc3: {  	(tm) =	ssettm $0x7FFFFFFF  }
tec
execute0_lowered:
.L_overlay_start_1:
0x0: {  	(tag) =	ssettag $0x1  }
0x1: {  	s0 =	srdreg.scid  }
0x2: {  	s1 =	rddreg [dreg:$0x0];
	s7 =	sand.u32 $0x1, s0  }
0x3: {  	s0 =	stileid.u32;
	s5 =	smul.u32 $0x27100, s7  }
0x4: {  	s6 =	rddreg [dreg:$0x1];
	s8 =	smul.u32 $0x2710, s0  }
0x5: {  	s3 =	rddreg [dreg:$0x2];
	s4 =	simm.s32 $0x0;
	s11 =	smul.u32 $0x5, s0  }
0x6: {  	[smem:$0x7FF] =	sst s4;
	s12 =	sadd.s32 $0x1A00, s6;
	s10 =	smul.u32 $0x50, s0  }
0x7: {  	s16 =	sadd.s32 $0x16C00, s6;
	s20 =	ssub.s32 $0x2, s7;
	s14 =	smul.u32 $0x140000, s7  }
0x8: {  	_ =	strace $0x8000004D;
	s19 =	smul.u32 $0x14000, s0;
	s9 =	sshrl.u32 s20, $0x1  }
0x9: {  	s5 =	sadd.s32 s8, s5;
	s8 =	ssub.s32 s20, s9;
	s13 =	sadd.s32 $0x1, s11  }
0xa: {  	s15 =	sadd.s32 $0x2, s11;
	s17 =	sadd.s32 $0x3, s11;
	s20 =	sadd.s32 $0x4, s11  }
0xb: {  	s19 =	sadd.s32 s14, s19;
	s5 =	sshrl.u32 s5, $0x3;
	s7 =	smax.u32 s8, $0x1  }
0xc: {  	s21 =	sshll.u32 s13, $0x4;
	s22 =	sshll.u32 s15, $0x4;
	s23 =	sshll.u32 s17, $0x4  }
0xd: {  	s24 =	sshll.u32 s13, $0xE;
	s25 =	sshll.u32 s20, $0x4;
	s26 =	sshrl.u32 s19, $0x3  }
0xe: {  	s15 =	sshll.u32 s15, $0xE;
	s17 =	sshll.u32 s17, $0xE;
	s29 =	sshll.u32 s20, $0xE  }
0xf: {  	s20 =	simm.s32 $0x2;
	s18 =	sadd.s32 s5, s6;
	s5 =	sadd.s32 $0x16400, s6  }
0x10: {  	s6 =	sadd.s32 s12, s10;
	s8 =	sadd.s32 s12, s21;
	s9 =	sadd.s32 s12, s22  }
0x11: {  	s10 =	sadd.s32 s12, s23;
	s21 =	sadd.s32 s14, s24;
	s11 =	sadd.s32 s12, s25  }
0x12: {  	s12 =	sadd.s32 s16, s26;
	s15 =	sadd.s32 s14, s15;
	s17 =	sadd.s32 s14, s17  }
0x13: {  	s19 =	sadd.s32 s14, s29;
	s22 =	simm.s32 $0x7D;
	s23 =	simm.s32 $0x80  }
0x14: {  	s24 =	simm.s32 $0x50;
	s25 =	simm.s32 $0x1;
	s26 =	simm.s32 $0x0  }
0x15: {  	s28 =	sshrl.u32 s21, $0x3;
	s15 =	sshrl.u32 s15, $0x3;
	s30 =	sshrl.u32 s17, $0x3  }
0x16: {  	s31 =	sshrl.u32 s19, $0x3;
	s17 =	sadd.s32 $0xBE00, s18;
	s18 =	sadd.s32 $0x2000, s18  }
0x17: {  	s19 =	simm.s32 $0x180;
	s21 =	simm.s32 $0x100;
	s13 =	sadd.s32 s16, s28  }
0x18: {  	s14 =	sadd.s32 s16, s15;
	s15 =	sadd.s32 s16, s30;
	s16 =	sadd.s32 s16, s31  }
.LBB2_1:
0x19: {  	[tilespmem:s19], [sflag:$0x2] =	stream.linear.gather [hbm4b:s5+s4], $0x3E80, $0x38;
	[tilespmem:$0x17A00] =	vst v63  }
0x1a: {  	_ =	swait.ge [sflag:s20], $0x3E80  }
0x1b: {  	[sflag:s20] =	ssyncset.done $0x0  }
0x1c: {  	[sflag:s20] =	ssyncadd.s32 $0xFFFFC180  }
0x1d: {  	[tilespmem:s21], [sflag:$0x2] =	stream.linear.gather [hbm4b:s6+s4], $0x80, $0x38;
	[tilespmem:$0x17A00] =	vst v63  }
0x1e: {  	_ =	swait.ge [sflag:s20], $0x80  }
0x1f: {  	[sflag:s20] =	ssyncset.done $0x0  }
0x20: {  	[sflag:s20] =	ssyncadd.s32 $0xFFFFFF80  }
0x21: {  	[spmem:s3] =	stream.indirect.scatter [tilespmem:s19], [sflag:$0x2], $0x80, s21, s22, $0xb8;
	[tilespmem:$0x17A00] =	vst v63  }
0x22: {  	_ =	swait.ge [sflag:s20], $0x3E80  }
0x23: {  	[sflag:s20] =	ssyncset.done $0x0  }
0x24: {  	[sflag:s20] =	ssyncadd.s32 $0xFFFFC180  }
0x25: {  	[tilespmem:s21], [sflag:$0x2] =	stream.linear.gather [hbm4b:s8+s4], $0x80, $0x38;
	[tilespmem:$0x17A00] =	vst v63  }
0x26: {  	_ =	swait.ge [sflag:s20], $0x80  }
0x27: {  	[sflag:s20] =	ssyncset.done $0x0  }
0x28: {  	[sflag:s20] =	ssyncadd.s32 $0xFFFFFF80  }
0x29: {  	[spmem:s3] =	stream.indirect.scatter [tilespmem:s19], [sflag:$0x2], $0x80, s21, s22, $0xb8;
	[tilespmem:$0x17A00] =	vst v63  }
0x2a: {  	_ =	swait.ge [sflag:s20], $0x3E80  }
0x2b: {  	[sflag:s20] =	ssyncset.done $0x0  }
0x2c: {  	[sflag:s20] =	ssyncadd.s32 $0xFFFFC180  }
0x2d: {  	[tilespmem:s21], [sflag:$0x2] =	stream.linear.gather [hbm4b:s9+s4], $0x80, $0x38;
	[tilespmem:$0x17A00] =	vst v63  }
0x2e: {  	_ =	swait.ge [sflag:s20], $0x80  }
0x2f: {  	[sflag:s20] =	ssyncset.done $0x0  }
0x30: {  	[sflag:s20] =	ssyncadd.s32 $0xFFFFFF80  }
0x31: {  	[spmem:s3] =	stream.indirect.scatter [tilespmem:s19], [sflag:$0x2], $0x80, s21, s22, $0xb8;
	[tilespmem:$0x17A00] =	vst v63  }
0x32: {  	_ =	swait.ge [sflag:s20], $0x3E80  }
0x33: {  	[sflag:s20] =	ssyncset.done $0x0  }
0x34: {  	[sflag:s20] =	ssyncadd.s32 $0xFFFFC180  }
0x35: {  	[tilespmem:s21], [sflag:$0x2] =	stream.linear.gather [hbm4b:s10+s4], $0x80, $0x38;
	[tilespmem:$0x17A00] =	vst v63  }
0x36: {  	_ =	swait.ge [sflag:s20], $0x80  }
0x37: {  	[sflag:s20] =	ssyncset.done $0x0  }
0x38: {  	[sflag:s20] =	ssyncadd.s32 $0xFFFFFF80  }
0x39: {  	[spmem:s3] =	stream.indirect.scatter [tilespmem:s19], [sflag:$0x2], $0x80, s21, s22, $0xb8;
	[tilespmem:$0x17A00] =	vst v63  }
0x3a: {  	_ =	swait.ge [sflag:s20], $0x3E80  }
0x3b: {  	[sflag:s20] =	ssyncset.done $0x0  }
0x3c: {  	[sflag:s20] =	ssyncadd.s32 $0xFFFFC180  }
0x3d: {  	[tilespmem:s21], [sflag:$0x2] =	stream.linear.gather [hbm4b:s11+s4], $0x80, $0x38;
	[tilespmem:$0x17A00] =	vst v63  }
0x3e: {  	_ =	swait.ge [sflag:s20], $0x80  }
0x3f: {  	[sflag:s20] =	ssyncset.done $0x0  }
0x40: {  	[sflag:s20] =	ssyncadd.s32 $0xFFFFFF80  }
0x41: {  	[spmem:s3] =	stream.indirect.scatter [tilespmem:s19], [sflag:$0x2], $0x80, s21, s22, $0xb8;
	[tilespmem:$0x17A00] =	vst v63  }
0x42: {  	_ =	swait.ge [sflag:s20], $0x3E80  }
0x43: {  	[sflag:s20] =	ssyncset.done $0x0  }
0x44: {  	[sflag:s20] =	ssyncadd.s32 $0xFFFFC180  }
0x45: {  	s28 =	sadd.s32 $0x0, s18;
	[bflag:$0x0] =	sbarrier.arrive $0xFFFF  }
0x46: {  	[tilespmem:s23], [sflag:$0x2] =	stream.linear.gather [hbm4b:s28+s4], $0x50, $0x38;
	[tilespmem:$0x17A00] =	vst v63  }
0x47: {  	_ =	swait.ge [sflag:s20], $0x50  }
0x48: {  	[sflag:s20] =	ssyncset.done $0x0  }
0x49: {  	s28 =	sadd.s32 $0x0, s17;
	[sflag:s20] =	ssyncadd.s32 $0xFFFFFFB0  }
0x4a: {  	[tilespmem:s4], [sflag:$0x2] =	stream.linear.gather [hbm4b:s28+s4], $0x50, $0x38;
	[tilespmem:$0x17A00] =	vst v63  }
0x4b: {  	_ =	swait.ge [sflag:s20], $0x50  }
0x4c: {  	[sflag:s20] =	ssyncset.done $0x0  }
0x4d: {  	[sflag:s20] =	ssyncadd.s32 $0xFFFFFFB0  }
0x4e: {  	[tilespmem:s19], [sflag:$0x1] =	stream.indirect.gather [hbm4b:s1+s24], $0x80, s4, s24, $0xb8;
	[tilespmem:$0x17A00] =	vst v63  }
0x4f: {  	_ =	swait.ge [sflag:s25], $0x2800  }
0x50: {  	[sflag:s25] =	ssyncset.done $0x0  }
0x51: {  	[sflag:s25] =	ssyncadd.s32 $0xFFFFD800  }
0x52: {  	[spmem:s3] =	stream.indirect.scatter.add.f32 [tilespmem:s19], [sflag:$0x2], $0x80, s23, s24, $0xb8;
	[tilespmem:$0x17A00] =	vst v63  }
0x53: {  	_ =	swait.ge [sflag:s20], $0x2800  }
0x54: {  	s29 =	simm.s32 $0x14;
	s28 =	simm.s32 $0xA;
	[sflag:s20] =	ssyncset.done $0x0  }
.LBB2_2:
0x55: {  	s30 =	sadd.s32 s28, s18  }
0x56: {  	[sflag:s20] =	ssyncadd.s32 $0xFFFFD800;
	s31 =	smov.u32 s29;
	s2 =	sadd.s32 $0xA, s29  }
0x57: {  	[tilespmem:s23], [sflag:$0x2] =	stream.linear.gather [hbm4b:s30+s4], $0x50, $0x38;
	[tilespmem:$0x17A00] =	vst v63  }
0x58: {  	p0 =	sne.s32 s29, $0x4D8;
	_ =	swait.ge [sflag:s20], $0x50  }
0x59: {  	[sflag:s20] =	ssyncset.done $0x0  }
0x5a: {  	s29 =	sadd.s32 s28, s17;
	s28 =	smov.u32 s31;
	[sflag:s20] =	ssyncadd.s32 $0xFFFFFFB0  }
0x5b: {  	[tilespmem:s4], [sflag:$0x2] =	stream.linear.gather [hbm4b:s29+s4], $0x50, $0x38;
	[tilespmem:$0x17A00] =	vst v63  }
0x5c: {  	_ =	swait.ge [sflag:s20], $0x50  }
0x5d: {  	[sflag:s20] =	ssyncset.done $0x0  }
0x5e: {  	[sflag:s20] =	ssyncadd.s32 $0xFFFFFFB0  }
0x5f: {  	[tilespmem:s19], [sflag:$0x1] =	stream.indirect.gather [hbm4b:s1+s24], $0x80, s4, s24, $0xb8;
	[tilespmem:$0x17A00] =	vst v63  }
0x60: {  	_ =	swait.ge [sflag:s25], $0x2800  }
.Ltmp0:
0x61: {  	[sflag:s25] =	ssyncset.done $0x0;
	(pc) =	sbr.rel @p0 .LBB2_2-.Ltmp0, $4  }
0x62: {  	[sflag:s25] =	ssyncadd.s32 $0xFFFFD800  }
0x63: {  	[spmem:s3] =	stream.indirect.scatter.add.f32 [tilespmem:s19], [sflag:$0x2], $0x80, s23, s24, $0xb8;
	[tilespmem:$0x17A00] =	vst v63  }
0x64: {  	_ =	swait.ge [sflag:s20], $0x2800  }
0x65: {  	s29 =	smov.u32 s2;
	[sflag:s20] =	ssyncset.done $0x0  }
0x66: {  	s2 =	sadd.s32 s28, s18;
	[sflag:s20] =	ssyncadd.s32 $0xFFFFD800  }
0x67: {  	[tilespmem:s23], [sflag:$0x2] =	stream.linear.gather [hbm4b:s2+s4], $0x50, $0x38;
	[tilespmem:$0x17A00] =	vst v63  }
0x68: {  	_ =	swait.ge [sflag:s20], $0x50  }
0x69: {  	[sflag:s20] =	ssyncset.done $0x0  }
0x6a: {  	s31 =	sadd.s32 s28, s17;
	[sflag:s20] =	ssyncadd.s32 $0xFFFFFFB0  }
0x6b: {  	[tilespmem:s4], [sflag:$0x2] =	stream.linear.gather [hbm4b:s31+s4], $0x50, $0x38;
	[tilespmem:$0x17A00] =	vst v63  }
0x6c: {  	_ =	swait.ge [sflag:s20], $0x50  }
0x6d: {  	[sflag:s20] =	ssyncset.done $0x0  }
0x6e: {  	[sflag:s20] =	ssyncadd.s32 $0xFFFFFFB0  }
0x6f: {  	[tilespmem:s19], [sflag:$0x1] =	stream.indirect.gather [hbm4b:s1+s24], $0x80, s4, s24, $0xb8;
	[tilespmem:$0x17A00] =	vst v63  }
0x70: {  	_ =	swait.ge [sflag:s25], $0x2800  }
0x71: {  	[sflag:s25] =	ssyncset.done $0x0  }
0x72: {  	[sflag:s25] =	ssyncadd.s32 $0xFFFFD800  }
0x73: {  	[spmem:s3] =	stream.indirect.scatter.add.f32 [tilespmem:s19], [sflag:$0x2], $0x80, s23, s24, $0xb8;
	[tilespmem:$0x17A00] =	vst v63  }
0x74: {  	_ =	swait.ge [sflag:s20], $0x2800  }
0x75: {  	[sflag:s20] =	ssyncset.done $0x0  }
0x76: {  	[sflag:s20] =	ssyncadd.s32 $0xFFFFD800  }
0x77: {  	[bflag:$0x0] =	sbarrier.arrive $0xFFFF  }
0x78: {  	[tilespmem:s21], [sflag:$0x2] =	stream.linear.gather [hbm4b:s6+s4], $0x80, $0x38;
	[tilespmem:$0x17A00] =	vst v63  }
0x79: {  	_ =	swait.ge [sflag:s20], $0x80  }
0x7a: {  	[sflag:s20] =	ssyncset.done $0x0  }
0x7b: {  	[sflag:s20] =	ssyncadd.s32 $0xFFFFFF80  }
0x7c: {  	[tilespmem:s19], [sflag:$0x1] =	stream.indirect.gather [spmem:s3], $0x80, s21, s22, $0xb8;
	[tilespmem:$0x17A00] =	vst v63  }
0x7d: {  	_ =	swait.ge [sflag:s25], $0x3E80  }
0x7e: {  	[sflag:s25] =	ssyncset.done $0x0  }
0x7f: {  	[sflag:s25] =	ssyncadd.s32 $0xFFFFC180  }
0x80: {  	[hbm4b:s12+s4] =	stream.linear.scatter [tilespmem:s19], [sflag:$0x2], $0x3E80, $0x38;
	[tilespmem:$0x17A00] =	vst v63  }
0x81: {  	_ =	swait.ge [sflag:s20], $0x3E80  }
0x82: {  	[sflag:s20] =	ssyncset.done $0x0  }
0x83: {  	[sflag:s20] =	ssyncadd.s32 $0xFFFFC180  }
0x84: {  	[tilespmem:s21], [sflag:$0x2] =	stream.linear.gather [hbm4b:s8+s4], $0x80, $0x38;
	[tilespmem:$0x17A00] =	vst v63  }
0x85: {  	_ =	swait.ge [sflag:s20], $0x80  }
0x86: {  	[sflag:s20] =	ssyncset.done $0x0  }
0x87: {  	[sflag:s20] =	ssyncadd.s32 $0xFFFFFF80  }
0x88: {  	[tilespmem:s19], [sflag:$0x1] =	stream.indirect.gather [spmem:s3], $0x80, s21, s22, $0xb8;
	[tilespmem:$0x17A00] =	vst v63  }
0x89: {  	_ =	swait.ge [sflag:s25], $0x3E80  }
0x8a: {  	[sflag:s25] =	ssyncset.done $0x0  }
0x8b: {  	[sflag:s25] =	ssyncadd.s32 $0xFFFFC180  }
0x8c: {  	[hbm4b:s13+s4] =	stream.linear.scatter [tilespmem:s19], [sflag:$0x2], $0x3E80, $0x38;
	[tilespmem:$0x17A00] =	vst v63  }
0x8d: {  	_ =	swait.ge [sflag:s20], $0x3E80  }
0x8e: {  	[sflag:s20] =	ssyncset.done $0x0  }
0x8f: {  	[sflag:s20] =	ssyncadd.s32 $0xFFFFC180  }
0x90: {  	[tilespmem:s21], [sflag:$0x2] =	stream.linear.gather [hbm4b:s9+s4], $0x80, $0x38;
	[tilespmem:$0x17A00] =	vst v63  }
0x91: {  	_ =	swait.ge [sflag:s20], $0x80  }
0x92: {  	[sflag:s20] =	ssyncset.done $0x0  }
0x93: {  	[sflag:s20] =	ssyncadd.s32 $0xFFFFFF80  }
0x94: {  	[tilespmem:s19], [sflag:$0x1] =	stream.indirect.gather [spmem:s3], $0x80, s21, s22, $0xb8;
	[tilespmem:$0x17A00] =	vst v63  }
0x95: {  	_ =	swait.ge [sflag:s25], $0x3E80  }
0x96: {  	[sflag:s25] =	ssyncset.done $0x0  }
0x97: {  	[sflag:s25] =	ssyncadd.s32 $0xFFFFC180  }
0x98: {  	[hbm4b:s14+s4] =	stream.linear.scatter [tilespmem:s19], [sflag:$0x2], $0x3E80, $0x38;
	[tilespmem:$0x17A00] =	vst v63  }
0x99: {  	_ =	swait.ge [sflag:s20], $0x3E80  }
0x9a: {  	[sflag:s20] =	ssyncset.done $0x0  }
0x9b: {  	[sflag:s20] =	ssyncadd.s32 $0xFFFFC180  }
0x9c: {  	[tilespmem:s21], [sflag:$0x2] =	stream.linear.gather [hbm4b:s10+s4], $0x80, $0x38;
	[tilespmem:$0x17A00] =	vst v63  }
0x9d: {  	_ =	swait.ge [sflag:s20], $0x80  }
0x9e: {  	[sflag:s20] =	ssyncset.done $0x0  }
0x9f: {  	[sflag:s20] =	ssyncadd.s32 $0xFFFFFF80  }
0xa0: {  	[tilespmem:s19], [sflag:$0x1] =	stream.indirect.gather [spmem:s3], $0x80, s21, s22, $0xb8;
	[tilespmem:$0x17A00] =	vst v63  }
0xa1: {  	_ =	swait.ge [sflag:s25], $0x3E80  }
0xa2: {  	[sflag:s25] =	ssyncset.done $0x0  }
0xa3: {  	[sflag:s25] =	ssyncadd.s32 $0xFFFFC180  }
0xa4: {  	[hbm4b:s15+s4] =	stream.linear.scatter [tilespmem:s19], [sflag:$0x2], $0x3E80, $0x38;
	[tilespmem:$0x17A00] =	vst v63  }
0xa5: {  	_ =	swait.ge [sflag:s20], $0x3E80  }
0xa6: {  	[sflag:s20] =	ssyncset.done $0x0  }
0xa7: {  	[sflag:s20] =	ssyncadd.s32 $0xFFFFC180  }
0xa8: {  	[tilespmem:s21], [sflag:$0x2] =	stream.linear.gather [hbm4b:s11+s4], $0x80, $0x38;
	[tilespmem:$0x17A00] =	vst v63  }
0xa9: {  	_ =	swait.ge [sflag:s20], $0x80  }
0xaa: {  	[sflag:s20] =	ssyncset.done $0x0  }
0xab: {  	[sflag:s20] =	ssyncadd.s32 $0xFFFFFF80  }
0xac: {  	[tilespmem:s19], [sflag:$0x1] =	stream.indirect.gather [spmem:s3], $0x80, s21, s22, $0xb8;
	[tilespmem:$0x17A00] =	vst v63  }
0xad: {  	s26 =	sadd.s32 $0x1, s26;
	_ =	swait.ge [sflag:s25], $0x3E80  }
0xae: {  	p0 =	sne.s32 s26, s7;
	[sflag:s25] =	ssyncset.done $0x0  }
.Ltmp1:
0xaf: {  	[sflag:s25] =	ssyncadd.s32 $0xFFFFC180;
	(pc) =	sbr.rel @p0 .LBB2_1-.Ltmp1, $4  }
0xb0: {  	[hbm4b:s16+s4] =	stream.linear.scatter [tilespmem:s19], [sflag:$0x2], $0x3E80, $0x38;
	[tilespmem:$0x17A00] =	vst v63  }
0xb1: {  	_ =	swait.ge [sflag:s20], $0x3E80  }
0xb2: {  	[sflag:s20] =	ssyncset.done $0x0  }
0xb3: {  	[sflag:s20] =	ssyncadd.s32 $0xFFFFC180  }
0xb4: {  	_ =	sfence.sel $0x180000  }
0xb5: {  	[bflag:$0x0] =	sbarrier.arrive $0xFFFF  }
0xb6: {  	_ =	strace $0x9000004D  }
0xb7: {  	[bflag:$0x2] =	sbarrier.arrive $0xFFFF  }
0xb8: {  	p0 =	sne.s32 s0, $0x0;
	s0 =	rddreg [dreg:$0x3]  }
0xb9: {  	s0 =	sadd.s32 @!p0 $0x100000, s0  }
0xba: {  	[sflag:s0] =	ssyncadd.tile.s32 @!p0 $0x1;
	_ =	shalt  }
.Lfunc_end2:
_tile_overlayer_lowered:
.L_overlay_start_2:
0xbb: {  	(tag) =	ssettag $0x2  }
0xbc: {  	s0 =	rddreg [dreg:$0x0];
	s2 =	stileid.u32  }
0xbd: {  	s1 =	rddreg [dreg:$0x1];
	p0 =	sne.s32 s2, $0x0  }
0xbe: {  	s3 =	rddreg [dreg:$0x2];
	[bflag:$0x3] =	sbarrier.arrive $0xFFFF;
	s2 =	simm.s32 @!p0 $0x1C02  }
0xbf: {  	[timem:s3], [sflag:s2] =	dma.local @!p0 [hbm:s0], s1  }
0xc0: {  	s0 =	simm.s32 @!p0 $0x2  }
0xc1: {  	_ =	swait.ge @!p0 [sflag:s0], s1  }
0xc2: {  	s1 =	ssub.s32 @!p0 $0x0, s1;
	[sflag:s0] =	ssyncset.done @!p0 $0x0  }
0xc3: {  	[sflag:s0] =	ssyncadd.s32 @!p0 s1  }
0xc4: {  	[bflag:$0x3] =	sbarrier.arrive $0xFFFF  }
0xc5: {  	_ =	shalt  }

// kernel: kernel.8.cloned.1.call-start
scs
__scs_entry_jumppad:
0x0: {  	(pc) =	sbr.rel $0x88, $3  }
0x1: {  	(tag) =	ssettag $0x0;
	lr =	simm.s32 $0x1  }
0x2: {  	[smem:$0x3F99] =	sst lr;
	_ =	strace $0xD0000000  }
0x3: {  	_ = 	snop  }
0x4: {  	_ = 	snop  }
0x5: {  	_ = 	snop  }
0x6: {  	_ = 	snop  }
0x7: {  	_ = 	snop  }
__scs_overlays_trampoline_lowered:
0x8: {  	[smem:$0x3FA8] =	sst s0  }
0x9: {  	[smem:$0x3FA9] =	sst s1  }
0xa: {  	[smem:$0x3FAA] =	sst s2  }
0xb: {  	[smem:$0x3FAB] =	sst s3  }
0xc: {  	[smem:$0x3FAC] =	sst s4  }
0xd: {  	[smem:$0x3FAD] =	sst s5  }
0xe: {  	[smem:$0x3FAE] =	sst s6  }
0xf: {  	[smem:$0x3FAF] =	sst s7  }
0x10: {  	[smem:$0x3FB0] =	sst s8  }
0x11: {  	[smem:$0x3FB1] =	sst s9;
	s0 =	simm.s32 @!p0 $0x0  }
0x12: {  	s1 =	sld [smem:$0x3F97];
	s0 =	simm.s32 @p0 $0x1  }
0x13: {  	[smem:$0x3FB2] =	sst s0;
	s0 =	simm.s32 @!p1 $0x0  }
0x14: {  	s2 =	sld [smem:$0x3F96];
	s0 =	simm.s32 @p1 $0x1  }
0x15: {  	[smem:$0x3FB3] =	sst s0;
	s0 =	simm.s32 @!p2 $0x0  }
0x16: {  	s3 =	sld [smem:$0x3FDB];
	s0 =	simm.s32 @p2 $0x1  }
0x17: {  	s4 =	simm.s32 $0x1BF5;
	[smem:$0x3FB5] =	sst s0  }
0x18: {  	s0 =	sld [smem:$0x3F98];
	_ =	swait.ge [sflag:s4], $0x0  }
0x19: {  	s7 =	sld [smem:$0x3F99]  }
0x1a: {  	s8 =	sadd.s32 $0xFFFFE003, lr  }
0x1b: {  	s9 =	sadd.s32 $0xFFFFFEF7, lr;
	s5 =	simm.s32 $0xFFFFFFFF;
	p2 =	slt.u32 s8, $0xFFFFF086  }
0x1c: {  	p1 =	slt.u32 s9, $0xF7A;
	s5 =	simm.s32 @!p2 $0x0  }
0x1d: {  	s5 =	simm.s32 @p1 $0x1;
	p0 =	seq.s32 s7, s2  }
0x1e: {  	s7 =	smul.u32 @!p0 $0xF7A, s2;
	p2 =	seq.s32 @!p0 s5, $0x0  }
0x1f: {  	s9 =	smul.u32 $0xF7A, s1;
	s8 =	simm.s32 @!p0 $0x1BF5;
	p2 =	por !p2, p0  }
0x20: {  	[sflag:s8] =	ssyncset.s32 @!p0 $0xFFFFF086;
	s6 =	sadd.s32 @!p0 s3, s7;
	s7 =	simm.s32 @!p0 $0x108  }
0x21: {  	s3 =	sadd.s32 s3, s9;
	s6 =	sadd.s32 @!p0 $0x88, s6;
	s7 =	simm.s32 @p2 $0x1082  }
0x22: {  	[simem:s7], [sflag:s8] =	dma.local @!p0 [hbm:s6], $0xF7A  }
0x23: {  	s9 =	sor.u32 $0xD0000000, s2;
	s6 =	simm.s32 $0x108;
	_ =	swait.ge @!p0 [sflag:s8], $0x0  }
0x24: {  	s3 =	sadd.s32 $0x88, s3;
	s6 =	simm.s32 @!p1 $0x1082;
	[sflag:s4] =	ssyncset.s32 $0xFFFFF086  }
0x25: {  	[simem:s6], [sflag:s4] =	dma.local [hbm:s3], $0xF7A  }
0x26: {  	[smem:$0x3F99] =	sst s1;
	(tag) =	ssettag s2;
	_ =	strace s9  }
0x27: {  	s1 =	sld [smem:$0x3FA9]  }
0x28: {  	s2 =	sld [smem:$0x3FAA]  }
0x29: {  	s4 =	sld [smem:$0x3FAC]  }
0x2a: {  	p0 =	seq.s32 s5, $0x0;
	s5 =	sld [smem:$0x3FAD]  }
0x2b: {  	s6 =	sld [smem:$0x3FAE]  }
0x2c: {  	s7 =	sld [smem:$0x3FAF]  }
0x2d: {  	s3 =	simm.s32 $0x108;
	s8 =	sld [smem:$0x3FB0]  }
0x2e: {  	s3 =	simm.s32 @!p0 $0x1082;
	s9 =	sld [smem:$0x3FB1]  }
0x2f: {  	lr =	sadd.s32 s0, s3;
	s0 =	sld [smem:$0x3FA8]  }
0x30: {  	s3 =	sld [smem:$0x3FAB]  }
0x31: {  	[smem:$0x3FB4] =	sst s10  }
0x32: {  	s10 =	sld [smem:$0x3FB2];
	_ =	sdelay $0x3  }
0x33: {  	p0 =	seq.s32 s10, $0x1;
	s10 =	sld [smem:$0x3FB4];
	_ =	sdelay $0x3  }
0x34: {  	[smem:$0x3FB4] =	sst s10  }
0x35: {  	s10 =	sld [smem:$0x3FB3];
	_ =	sdelay $0x3  }
0x36: {  	p1 =	seq.s32 s10, $0x1;
	s10 =	sld [smem:$0x3FB4];
	_ =	sdelay $0x3  }
0x37: {  	[smem:$0x3FB4] =	sst s10  }
0x38: {  	s10 =	sld [smem:$0x3FB5]  }
0x39: {  	_ = 	snop;
	(pc) =	sbr.ind lr, $3  }
0x3a: {  	_ = 	snop  }
0x3b: {  	_ = 	snop  }
0x3c: {  	p2 =	seq.s32 s10, $0x1;
	s10 =	sld [smem:$0x3FB4]  }
0x3d: {  	_ =	shalt  }
0x3e: {  	_ =	shalt  }
0x3f: {  	_ =	shalt  }
0x40: {  	_ =	shalt  }
0x41: {  	_ =	shalt  }
0x42: {  	_ =	shalt  }
0x43: {  	_ =	shalt  }
0x44: {  	_ =	shalt  }
0x45: {  	_ =	shalt  }
0x46: {  	_ =	shalt  }
0x47: {  	_ =	shalt  }
0x48: {  	_ =	shalt  }
0x49: {  	_ =	shalt  }
0x4a: {  	_ =	shalt  }
0x4b: {  	_ =	shalt  }
0x4c: {  	_ =	shalt  }
0x4d: {  	_ =	shalt  }
0x4e: {  	_ =	shalt  }
0x4f: {  	_ =	shalt  }
0x50: {  	_ =	shalt  }
0x51: {  	_ =	shalt  }
0x52: {  	_ =	shalt  }
0x53: {  	_ =	shalt  }
0x54: {  	_ =	shalt  }
0x55: {  	_ =	shalt  }
0x56: {  	_ =	shalt  }
0x57: {  	_ =	shalt  }
0x58: {  	_ =	shalt  }
0x59: {  	_ =	shalt  }
0x5a: {  	_ =	shalt  }
0x5b: {  	_ =	shalt  }
0x5c: {  	_ =	shalt  }
0x5d: {  	_ =	shalt  }
0x5e: {  	_ =	shalt  }
0x5f: {  	_ =	shalt  }
0x60: {  	_ =	shalt  }
0x61: {  	_ =	shalt  }
0x62: {  	_ =	shalt  }
0x63: {  	_ =	shalt  }
0x64: {  	_ =	shalt  }
0x65: {  	_ =	shalt  }
0x66: {  	_ =	shalt  }
0x67: {  	_ =	shalt  }
0x68: {  	_ =	shalt  }
0x69: {  	_ =	shalt  }
0x6a: {  	_ =	shalt  }
0x6b: {  	_ =	shalt  }
0x6c: {  	_ =	shalt  }
0x6d: {  	_ =	shalt  }
0x6e: {  	_ =	shalt  }
0x6f: {  	_ =	shalt  }
0x70: {  	_ =	shalt  }
0x71: {  	_ =	shalt  }
0x72: {  	_ =	shalt  }
0x73: {  	_ =	shalt  }
0x74: {  	_ =	shalt  }
0x75: {  	_ =	shalt  }
0x76: {  	_ =	shalt  }
0x77: {  	_ =	shalt  }
0x78: {  	_ =	shalt  }
0x79: {  	_ =	shalt  }
0x7a: {  	_ =	shalt  }
0x7b: {  	_ =	shalt  }
0x7c: {  	_ =	shalt  }
0x7d: {  	_ =	shalt  }
0x7e: {  	_ =	shalt  }
0x7f: {  	_ =	shalt  }
0x80: {  	_ =	shalt  }
0x81: {  	_ =	shalt  }
0x82: {  	_ =	shalt  }
0x83: {  	_ =	shalt  }
0x84: {  	_ =	shalt  }
0x85: {  	_ =	shalt  }
0x86: {  	_ =	shalt  }
0x87: {  	_ =	shalt  }
.Lfunc_end0:
.L_simem_size_0:
called_computation_lowered:
.L_overlay_start_0:
0x88: {  	s2 =	sld [smem:$0x3FD9]  }
0x89: {  	s3 =	sld [smem:$0x3FFE];
	_ =	sdelay $0x1  }
0x8a: {  	s1 =	srdreg.scid  }
0x8b: {  	s0 =	sand.u32 $0x1, s1  }
0x8c: {  	s16 =	sshll.u32 s0, $0xA;
	s2 =	sadd.s32 s3, s2  }
0x8d: {  	s2 =	sadd.s32 s2, s16  }
0x8e: {  	[smem:$0x3FC0] =	sst s2  }
0x8f: {  	_ = 	snop  }
0x90: {  	(tm) =	ssettm $0x1  }
0x91: {  	s17 =	sld [smem:$0x3FFB];
	_ =	sdelay $0x3  }
0x92: {  	_ =	strace s17  }
0x93: {  	s2 =	sld [smem:$0x3FFC];
	_ =	sdelay $0x3  }
0x94: {  	_ =	strace s2  }
0x95: {  	s2 =	sld [smem:$0x3FFD];
	_ =	sdelay $0x3  }
0x96: {  	_ =	strace s2  }
0x97: {  	_ =	strace $0x8FFFFFFF  }
0x98: {  	s18 =	sld [smem:$0x3FDB];
	_ =	sdelay $0x1  }
0x99: {  	s19 =	simm.s32 $_scs_section_size  }
0x9a: {  	s4 =	simm.s32 $_size__tile_overlayer_lowered;
	s5 =	simm.s32 $_tile_overlayer_lowered  }
0x9b: {  	s22 =	simm.s32 $0x1BFF;
	s21 =	sshll.u32 s5, $0x1;
	s2 =	sadd.s32 s19, s18  }
0x9c: {  	s6 =	simm.s32 $0x0;
	s20 =	sshll.u32 s4, $0x1;
	s4 =	sadd.s32 s21, s2  }
0x9d: {  	[timem:s6], [sflag:s22] =	dma.local [hbm:s4], s20  }
0x9e: {  	_ =	swait.ge [sflag:s22], s20  }
0x9f: {  	s3 =	ssub.s32 $0x0, s20;
	[sflag:s22] =	ssyncset.done $0x0  }
0xa0: {  	[sflag:s22] =	ssyncadd.s32 s3;
	_ =	sdelay $0x1  }
0xa1: {  	s23 =	simm.s32 $0x1B8B  }
0xa2: {  	_ =	swait.ge [sflag:s23], $0x1  }
0xa3: {  	[sflag:s23] =	ssyncset.done $0x0  }
0xa4: {  	s25 =	simm.s32 $0x1B8E;
	s24 =	sld [smem:$0x3FFE];
	[sflag:s23] =	ssyncadd.s32 $0xFFFFFFFF  }
0xa5: {  	s26 =	simm.s32 $execute0_lowered;
	[smem:$0x3FD2] =	sst s25  }
0xa6: {  	s4 =	sshll.u32 s26, $0x1;
	_ =	strace $0x80000046;
	[dreg:$0x1] =	wrdreg $0xFFFFFFFF  }
0xa7: {  	s28 =	simm.s32 $_size_execute0_lowered;
	s2 =	sadd.s32 s2, s4;
	[dreg:$0x0] =	wrdreg $0x0  }
0xa8: {  	s4 =	sshll.u32 s28, $0x1;
	[dreg:$0x2] =	wrdreg s2  }
0xa9: {  	[dreg:$0x3] =	wrdreg s4  }
0xaa: {  	[dreg:$0x4] =	wrdreg $0xC0  }
0xab: {  	_ =	task [dreg:s6], $0x5FFFF  }
0xac: {  	[dreg:$0x1] =	wrdreg $0xFFFFFFFF  }
0xad: {  	[dreg:$0x0] =	wrdreg $0x60  }
0xae: {  	[dreg:$0x2] =	wrdreg s24  }
0xaf: {  	[dreg:$0x3] =	wrdreg $0x41000  }
0xb0: {  	[dreg:$0x4] =	wrdreg $0x9  }
0xb1: {  	_ =	task.clear_ibuf [dreg:s6], $0x5FFFF;
	_ =	strace $0x90000046  }
0xb2: {  	s29 =	simm.s32 $0x9;
	_ =	strace $0x80000048  }
0xb3: {  	_ =	swait.ge [sflag:s29], $0x1  }
0xb4: {  	[sflag:s29] =	ssyncadd.s32 $0xFFFFFFFF  }
0xb5: {  	_ =	strace $0x90000048  }
0xb6: {  	_ =	sfence  }
0xb7: {  	s30 =	sld [smem:$0x0];
	_ =	sdelay $0x2  }
0xb8: {  	s31 =	sshll.u32 s1, $0xD;
	s1 =	sshrl.u32 s1, $0x2  }
0xb9: {  	s3 =	sand.u32 $0x4000, s31;
	s1 =	sadd.s32 s1, s30  }
0xba: {  	s0 =	sor.u32 s3, s0;
	s1 =	sshll.u32 s1, $0x11  }
0xbb: {  	s0 =	sor.u32 s1, s0  }
0xbc: {  	s0 =	sadd.s32 $0x8F2B, s0  }
0xbd: {  	[sflag:s0] =	ssyncadd.remote.s32 $0x1  }
0xbe: {  	_ =	sfence.sel $0xFFFF  }
0xbf: {  	[dreg:$0x0] =	wrdreg $0xFFFFFFFF;
	(pc) =	sbr.abs _section_cstart, $3  }
0xc0: {  	[dreg:$0x1] =	wrdreg $0xFFFFFFFF  }
0xc1: {  	_ =	task.clear_ibuf [dreg:s6], $0x2FFFF;
	_ =	strace $0x9FFFFFFF  }
0xc2: {  	(tm) =	ssettm $0x7FFFFFFF  }
0xc3: {  	_ =	shalt  }
tec
execute0_lowered:
.L_overlay_start_1:
0x0: {  	(tag) =	ssettag $0x1  }
0x1: {  	s0 =	srdreg.scid;
	s7 =	rddreg [dreg:$0x0]  }
0x2: {  	s2 =	rddreg [dreg:$0x1];
	s6 =	sand.u32 $0x1, s0  }
0x3: {  	s0 =	stileid.u32;
	s4 =	smul.u32 $0x27100, s6  }
0x4: {  	s1 =	rddreg [dreg:$0x2];
	s3 =	simm.s32 $0x0;
	s5 =	smul.u32 $0x2710, s0  }
0x5: {  	s22 =	simm.s32 $0x50;
	[smem:$0x7FF] =	sst s3;
	s11 =	smul.u32 $0x5, s0  }
0x6: {  	s12 =	sadd.s32 $0x1A00, s7;
	s16 =	sadd.s32 $0x16C00, s7;
	s10 =	smul.u32 $0x50, s0  }
0x7: {  	_ =	strace $0x80000047;
	s8 =	ssub.s32 $0x2, s6;
	s14 =	smul.u32 $0x140000, s6  }
0x8: {  	s19 =	smul.u32 $0x14000, s0;
	s9 =	sshrl.u32 s8, $0x1;
	s4 =	sadd.s32 s5, s4  }
0x9: {  	s5 =	sadd.s32 $0x15C00, s7;
	s23 =	ssub.s32 s8, s9;
	s6 =	sadd.s32 s12, s10  }
0xa: {  	s13 =	sadd.s32 $0x1, s11;
	s15 =	sadd.s32 $0x2, s11;
	s18 =	sadd.s32 $0x3, s11  }
0xb: {  	s20 =	sadd.s32 $0x4, s11;
	s28 =	sadd.s32 s14, s19;
	s4 =	sshrl.u32 s4, $0x3  }
0xc: {  	s24 =	sshll.u32 s13, $0x4;
	s25 =	sshll.u32 s15, $0x4;
	s26 =	sshll.u32 s18, $0x4  }
0xd: {  	s13 =	sshll.u32 s13, $0xE;
	s29 =	sshll.u32 s20, $0x4;
	s21 =	sshrl.u32 s28, $0x3  }
0xe: {  	s15 =	sshll.u32 s15, $0xE;
	s18 =	sshll.u32 s18, $0xE;
	s30 =	sshll.u32 s20, $0xE  }
0xf: {  	s20 =	simm.s32 $0x80;
	s17 =	sadd.s32 s4, s7;
	s4 =	sadd.s32 $0x16400, s7  }
0x10: {  	s7 =	smax.u32 s23, $0x1;
	s8 =	sadd.s32 s12, s24;
	s9 =	sadd.s32 s12, s25  }
0x11: {  	s10 =	sadd.s32 s12, s26;
	s13 =	sadd.s32 s14, s13;
	s11 =	sadd.s32 s12, s29  }
0x12: {  	s12 =	sadd.s32 s16, s21;
	s15 =	sadd.s32 s14, s15;
	s18 =	sadd.s32 s14, s18  }
0x13: {  	s19 =	sadd.s32 s14, s30;
	s21 =	simm.s32 $0x7D;
	s23 =	simm.s32 $0x1  }
0x14: {  	s24 =	simm.s32 $0x0;
	s13 =	sshrl.u32 s13, $0x3;
	s15 =	sshrl.u32 s15, $0x3  }
0x15: {  	s18 =	sshrl.u32 s18, $0x3;
	s31 =	sshrl.u32 s19, $0x3;
	s17 =	sadd.s32 $0x2000, s17  }
0x16: {  	s19 =	simm.s32 $0x2;
	s13 =	sadd.s32 s16, s13;
	s14 =	sadd.s32 s16, s15  }
0x17: {  	s15 =	sadd.s32 s16, s18;
	s16 =	sadd.s32 s16, s31;
	s18 =	simm.s32 $0x100  }
.LBB2_1:
0x18: {  	[tilespmem:s18], [sflag:$0x2] =	stream.linear.gather [hbm4b:s4+s3], $0x3E80, $0x38;
	[tilespmem:$0x17980] =	vst v63  }
0x19: {  	_ =	swait.ge [sflag:s19], $0x3E80  }
0x1a: {  	[sflag:s19] =	ssyncset.done $0x0  }
0x1b: {  	[sflag:s19] =	ssyncadd.s32 $0xFFFFC180  }
0x1c: {  	[tilespmem:s20], [sflag:$0x2] =	stream.linear.gather [hbm4b:s6+s3], $0x80, $0x38;
	[tilespmem:$0x17980] =	vst v63  }
0x1d: {  	_ =	swait.ge [sflag:s19], $0x80  }
0x1e: {  	[sflag:s19] =	ssyncset.done $0x0  }
0x1f: {  	[sflag:s19] =	ssyncadd.s32 $0xFFFFFF80  }
0x20: {  	[spmem:s2] =	stream.indirect.scatter [tilespmem:s18], [sflag:$0x2], $0x80, s20, s21, $0xb8;
	[tilespmem:$0x17980] =	vst v63  }
0x21: {  	_ =	swait.ge [sflag:s19], $0x3E80  }
0x22: {  	[sflag:s19] =	ssyncset.done $0x0  }
0x23: {  	[sflag:s19] =	ssyncadd.s32 $0xFFFFC180  }
0x24: {  	[tilespmem:s20], [sflag:$0x2] =	stream.linear.gather [hbm4b:s8+s3], $0x80, $0x38;
	[tilespmem:$0x17980] =	vst v63  }
0x25: {  	_ =	swait.ge [sflag:s19], $0x80  }
0x26: {  	[sflag:s19] =	ssyncset.done $0x0  }
0x27: {  	[sflag:s19] =	ssyncadd.s32 $0xFFFFFF80  }
0x28: {  	[spmem:s2] =	stream.indirect.scatter [tilespmem:s18], [sflag:$0x2], $0x80, s20, s21, $0xb8;
	[tilespmem:$0x17980] =	vst v63  }
0x29: {  	_ =	swait.ge [sflag:s19], $0x3E80  }
0x2a: {  	[sflag:s19] =	ssyncset.done $0x0  }
0x2b: {  	[sflag:s19] =	ssyncadd.s32 $0xFFFFC180  }
0x2c: {  	[tilespmem:s20], [sflag:$0x2] =	stream.linear.gather [hbm4b:s9+s3], $0x80, $0x38;
	[tilespmem:$0x17980] =	vst v63  }
0x2d: {  	_ =	swait.ge [sflag:s19], $0x80  }
0x2e: {  	[sflag:s19] =	ssyncset.done $0x0  }
0x2f: {  	[sflag:s19] =	ssyncadd.s32 $0xFFFFFF80  }
0x30: {  	[spmem:s2] =	stream.indirect.scatter [tilespmem:s18], [sflag:$0x2], $0x80, s20, s21, $0xb8;
	[tilespmem:$0x17980] =	vst v63  }
0x31: {  	_ =	swait.ge [sflag:s19], $0x3E80  }
0x32: {  	[sflag:s19] =	ssyncset.done $0x0  }
0x33: {  	[sflag:s19] =	ssyncadd.s32 $0xFFFFC180  }
0x34: {  	[tilespmem:s20], [sflag:$0x2] =	stream.linear.gather [hbm4b:s10+s3], $0x80, $0x38;
	[tilespmem:$0x17980] =	vst v63  }
0x35: {  	_ =	swait.ge [sflag:s19], $0x80  }
0x36: {  	[sflag:s19] =	ssyncset.done $0x0  }
0x37: {  	[sflag:s19] =	ssyncadd.s32 $0xFFFFFF80  }
0x38: {  	[spmem:s2] =	stream.indirect.scatter [tilespmem:s18], [sflag:$0x2], $0x80, s20, s21, $0xb8;
	[tilespmem:$0x17980] =	vst v63  }
0x39: {  	_ =	swait.ge [sflag:s19], $0x3E80  }
0x3a: {  	[sflag:s19] =	ssyncset.done $0x0  }
0x3b: {  	[sflag:s19] =	ssyncadd.s32 $0xFFFFC180  }
0x3c: {  	[tilespmem:s20], [sflag:$0x2] =	stream.linear.gather [hbm4b:s11+s3], $0x80, $0x38;
	[tilespmem:$0x17980] =	vst v63  }
0x3d: {  	_ =	swait.ge [sflag:s19], $0x80  }
0x3e: {  	[sflag:s19] =	ssyncset.done $0x0  }
0x3f: {  	[sflag:s19] =	ssyncadd.s32 $0xFFFFFF80  }
0x40: {  	[spmem:s2] =	stream.indirect.scatter [tilespmem:s18], [sflag:$0x2], $0x80, s20, s21, $0xb8;
	[tilespmem:$0x17980] =	vst v63  }
0x41: {  	_ =	swait.ge [sflag:s19], $0x3E80  }
0x42: {  	[sflag:s19] =	ssyncset.done $0x0  }
0x43: {  	[sflag:s19] =	ssyncadd.s32 $0xFFFFC180  }
0x44: {  	[tilespmem:s18], [sflag:$0x2] =	stream.linear.gather [hbm4b:s5+s3], $0x3E80, $0x38;
	[tilespmem:$0x17980] =	vst v63  }
0x45: {  	_ =	swait.ge [sflag:s19], $0x3E80  }
0x46: {  	[sflag:s19] =	ssyncset.done $0x0  }
0x47: {  	[sflag:s19] =	ssyncadd.s32 $0xFFFFC180  }
0x48: {  	s25 =	sadd.s32 $0x0, s17;
	[bflag:$0x0] =	sbarrier.arrive $0xFFFF  }
0x49: {  	[tilespmem:s3], [sflag:$0x2] =	stream.linear.gather [hbm4b:s25+s3], $0x50, $0x38;
	[tilespmem:$0x17980] =	vst v63  }
0x4a: {  	_ =	swait.ge [sflag:s19], $0x50  }
0x4b: {  	[sflag:s19] =	ssyncset.done $0x0  }
0x4c: {  	[sflag:s19] =	ssyncadd.s32 $0xFFFFFFB0  }
0x4d: {  	[spmem:s2] =	stream.indirect.scatter.add.f32 [tilespmem:s18], [sflag:$0x2], $0x80, s3, s22, $0xb8;
	[tilespmem:$0x17980] =	vst v63  }
0x4e: {  	_ =	swait.ge [sflag:s19], $0x2800  }
0x4f: {  	s26 =	simm.s32 $0x14;
	s25 =	simm.s32 $0xA;
	[sflag:s19] =	ssyncset.done $0x0  }
.LBB2_2:
0x50: {  	s28 =	sadd.s32 s25, s17  }
0x51: {  	[sflag:s19] =	ssyncadd.s32 $0xFFFFD800;
	s25 =	smov.u32 s26;
	s29 =	sadd.s32 $0xA, s26  }
0x52: {  	[tilespmem:s3], [sflag:$0x2] =	stream.linear.gather [hbm4b:s28+s3], $0x50, $0x38;
	[tilespmem:$0x17980] =	vst v63  }
0x53: {  	p0 =	sne.s32 s26, $0x4D8;
	_ =	swait.ge [sflag:s19], $0x50  }
.Ltmp0:
0x54: {  	[sflag:s19] =	ssyncset.done $0x0;
	(pc) =	sbr.rel @p0 .LBB2_2-.Ltmp0, $4  }
0x55: {  	[sflag:s19] =	ssyncadd.s32 $0xFFFFFFB0  }
0x56: {  	[spmem:s2] =	stream.indirect.scatter.add.f32 [tilespmem:s18], [sflag:$0x2], $0x80, s3, s22, $0xb8;
	[tilespmem:$0x17980] =	vst v63  }
0x57: {  	_ =	swait.ge [sflag:s19], $0x2800  }
0x58: {  	s26 =	smov.u32 s29;
	[sflag:s19] =	ssyncset.done $0x0  }
0x59: {  	s25 =	sadd.s32 s25, s17;
	[sflag:s19] =	ssyncadd.s32 $0xFFFFD800  }
0x5a: {  	[tilespmem:s3], [sflag:$0x2] =	stream.linear.gather [hbm4b:s25+s3], $0x50, $0x38;
	[tilespmem:$0x17980] =	vst v63  }
0x5b: {  	_ =	swait.ge [sflag:s19], $0x50  }
0x5c: {  	[sflag:s19] =	ssyncset.done $0x0  }
0x5d: {  	[sflag:s19] =	ssyncadd.s32 $0xFFFFFFB0  }
0x5e: {  	[spmem:s2] =	stream.indirect.scatter.add.f32 [tilespmem:s18], [sflag:$0x2], $0x80, s3, s22, $0xb8;
	[tilespmem:$0x17980] =	vst v63  }
0x5f: {  	_ =	swait.ge [sflag:s19], $0x2800  }
0x60: {  	[sflag:s19] =	ssyncset.done $0x0  }
0x61: {  	[sflag:s19] =	ssyncadd.s32 $0xFFFFD800  }
0x62: {  	[bflag:$0x0] =	sbarrier.arrive $0xFFFF  }
0x63: {  	[tilespmem:s20], [sflag:$0x2] =	stream.linear.gather [hbm4b:s6+s3], $0x80, $0x38;
	[tilespmem:$0x17980] =	vst v63  }
0x64: {  	_ =	swait.ge [sflag:s19], $0x80  }
0x65: {  	[sflag:s19] =	ssyncset.done $0x0  }
0x66: {  	[sflag:s19] =	ssyncadd.s32 $0xFFFFFF80  }
0x67: {  	[tilespmem:s18], [sflag:$0x1] =	stream.indirect.gather [spmem:s2], $0x80, s20, s21, $0xb8;
	[tilespmem:$0x17980] =	vst v63  }
0x68: {  	_ =	swait.ge [sflag:s23], $0x3E80  }
0x69: {  	[sflag:s23] =	ssyncset.done $0x0  }
0x6a: {  	[sflag:s23] =	ssyncadd.s32 $0xFFFFC180  }
0x6b: {  	[hbm4b:s12+s3] =	stream.linear.scatter [tilespmem:s18], [sflag:$0x2], $0x3E80, $0x38;
	[tilespmem:$0x17980] =	vst v63  }
0x6c: {  	_ =	swait.ge [sflag:s19], $0x3E80  }
0x6d: {  	[sflag:s19] =	ssyncset.done $0x0  }
0x6e: {  	[sflag:s19] =	ssyncadd.s32 $0xFFFFC180  }
0x6f: {  	[tilespmem:s20], [sflag:$0x2] =	stream.linear.gather [hbm4b:s8+s3], $0x80, $0x38;
	[tilespmem:$0x17980] =	vst v63  }
0x70: {  	_ =	swait.ge [sflag:s19], $0x80  }
0x71: {  	[sflag:s19] =	ssyncset.done $0x0  }
0x72: {  	[sflag:s19] =	ssyncadd.s32 $0xFFFFFF80  }
0x73: {  	[tilespmem:s18], [sflag:$0x1] =	stream.indirect.gather [spmem:s2], $0x80, s20, s21, $0xb8;
	[tilespmem:$0x17980] =	vst v63  }
0x74: {  	_ =	swait.ge [sflag:s23], $0x3E80  }
0x75: {  	[sflag:s23] =	ssyncset.done $0x0  }
0x76: {  	[sflag:s23] =	ssyncadd.s32 $0xFFFFC180  }
0x77: {  	[hbm4b:s13+s3] =	stream.linear.scatter [tilespmem:s18], [sflag:$0x2], $0x3E80, $0x38;
	[tilespmem:$0x17980] =	vst v63  }
0x78: {  	_ =	swait.ge [sflag:s19], $0x3E80  }
0x79: {  	[sflag:s19] =	ssyncset.done $0x0  }
0x7a: {  	[sflag:s19] =	ssyncadd.s32 $0xFFFFC180  }
0x7b: {  	[tilespmem:s20], [sflag:$0x2] =	stream.linear.gather [hbm4b:s9+s3], $0x80, $0x38;
	[tilespmem:$0x17980] =	vst v63  }
0x7c: {  	_ =	swait.ge [sflag:s19], $0x80  }
0x7d: {  	[sflag:s19] =	ssyncset.done $0x0  }
0x7e: {  	[sflag:s19] =	ssyncadd.s32 $0xFFFFFF80  }
0x7f: {  	[tilespmem:s18], [sflag:$0x1] =	stream.indirect.gather [spmem:s2], $0x80, s20, s21, $0xb8;
	[tilespmem:$0x17980] =	vst v63  }
0x80: {  	_ =	swait.ge [sflag:s23], $0x3E80  }
0x81: {  	[sflag:s23] =	ssyncset.done $0x0  }
0x82: {  	[sflag:s23] =	ssyncadd.s32 $0xFFFFC180  }
0x83: {  	[hbm4b:s14+s3] =	stream.linear.scatter [tilespmem:s18], [sflag:$0x2], $0x3E80, $0x38;
	[tilespmem:$0x17980] =	vst v63  }
0x84: {  	_ =	swait.ge [sflag:s19], $0x3E80  }
0x85: {  	[sflag:s19] =	ssyncset.done $0x0  }
0x86: {  	[sflag:s19] =	ssyncadd.s32 $0xFFFFC180  }
0x87: {  	[tilespmem:s20], [sflag:$0x2] =	stream.linear.gather [hbm4b:s10+s3], $0x80, $0x38;
	[tilespmem:$0x17980] =	vst v63  }
0x88: {  	_ =	swait.ge [sflag:s19], $0x80  }
0x89: {  	[sflag:s19] =	ssyncset.done $0x0  }
0x8a: {  	[sflag:s19] =	ssyncadd.s32 $0xFFFFFF80  }
0x8b: {  	[tilespmem:s18], [sflag:$0x1] =	stream.indirect.gather [spmem:s2], $0x80, s20, s21, $0xb8;
	[tilespmem:$0x17980] =	vst v63  }
0x8c: {  	_ =	swait.ge [sflag:s23], $0x3E80  }
0x8d: {  	[sflag:s23] =	ssyncset.done $0x0  }
0x8e: {  	[sflag:s23] =	ssyncadd.s32 $0xFFFFC180  }
0x8f: {  	[hbm4b:s15+s3] =	stream.linear.scatter [tilespmem:s18], [sflag:$0x2], $0x3E80, $0x38;
	[tilespmem:$0x17980] =	vst v63  }
0x90: {  	_ =	swait.ge [sflag:s19], $0x3E80  }
0x91: {  	[sflag:s19] =	ssyncset.done $0x0  }
0x92: {  	[sflag:s19] =	ssyncadd.s32 $0xFFFFC180  }
0x93: {  	[tilespmem:s20], [sflag:$0x2] =	stream.linear.gather [hbm4b:s11+s3], $0x80, $0x38;
	[tilespmem:$0x17980] =	vst v63  }
0x94: {  	_ =	swait.ge [sflag:s19], $0x80  }
0x95: {  	[sflag:s19] =	ssyncset.done $0x0  }
0x96: {  	[sflag:s19] =	ssyncadd.s32 $0xFFFFFF80  }
0x97: {  	[tilespmem:s18], [sflag:$0x1] =	stream.indirect.gather [spmem:s2], $0x80, s20, s21, $0xb8;
	[tilespmem:$0x17980] =	vst v63  }
0x98: {  	s24 =	sadd.s32 $0x1, s24;
	_ =	swait.ge [sflag:s23], $0x3E80  }
0x99: {  	p0 =	sne.s32 s24, s7;
	[sflag:s23] =	ssyncset.done $0x0  }
.Ltmp1:
0x9a: {  	[sflag:s23] =	ssyncadd.s32 $0xFFFFC180;
	(pc) =	sbr.rel @p0 .LBB2_1-.Ltmp1, $4  }
0x9b: {  	[hbm4b:s16+s3] =	stream.linear.scatter [tilespmem:s18], [sflag:$0x2], $0x3E80, $0x38;
	[tilespmem:$0x17980] =	vst v63  }
0x9c: {  	_ =	swait.ge [sflag:s19], $0x3E80  }
0x9d: {  	[sflag:s19] =	ssyncset.done $0x0  }
0x9e: {  	[sflag:s19] =	ssyncadd.s32 $0xFFFFC180  }
0x9f: {  	_ =	sfence.sel $0x180000  }
0xa0: {  	[bflag:$0x0] =	sbarrier.arrive $0xFFFF  }
0xa1: {  	p0 =	sne.s32 s0, $0x0;
	_ =	strace $0x90000047  }
0xa2: {  	s0 =	sadd.s32 @!p0 $0x100000, s1;
	[bflag:$0x2] =	sbarrier.arrive $0xFFFF  }
0xa3: {  	[sflag:s0] =	ssyncadd.tile.s32 @!p0 $0x1;
	_ =	shalt  }
.Lfunc_end2:
_tile_overlayer_lowered:
.L_overlay_start_2:
0xa4: {  	(tag) =	ssettag $0x2  }
0xa5: {  	s0 =	rddreg [dreg:$0x0];
	s2 =	stileid.u32  }
0xa6: {  	s1 =	rddreg [dreg:$0x1];
	p0 =	sne.s32 s2, $0x0  }
0xa7: {  	s3 =	rddreg [dreg:$0x2];
	[bflag:$0x3] =	sbarrier.arrive $0xFFFF;
	s2 =	simm.s32 @!p0 $0x1C02  }
0xa8: {  	[timem:s3], [sflag:s2] =	dma.local @!p0 [hbm:s0], s1  }
0xa9: {  	s0 =	simm.s32 @!p0 $0x2  }
0xaa: {  	_ =	swait.ge @!p0 [sflag:s0], s1  }
0xab: {  	s1 =	ssub.s32 @!p0 $0x0, s1;
	[sflag:s0] =	ssyncset.done @!p0 $0x0  }
0xac: {  	[sflag:s0] =	ssyncadd.s32 @!p0 s1  }
0xad: {  	[bflag:$0x3] =	sbarrier.arrive $0xFFFF  }
0xae: {  	_ =	shalt  }

</sc_bundles>
